<compile_context>
chip_gen: v7x
topology: tpu7x:2x2x1
jax: 0.10.2.dev20260603
libtpu: 0.0.44.dev20260713+nightly
codegen_flags: <defaults>
</compile_context>

<pallas_src>
import functools

import jax
import jax.numpy as jnp
from jax import lax
from jax.experimental import pallas as pl
from jax.experimental.pallas import tpu as pltpu
from jax.experimental.pallas import tpu_sc as plsc

NUM_WORKERS = 32
CHUNK = 32


def _make_emb_kernel(n_total, n_chunks, hidden):
    n_per_w = n_chunks * CHUNK
    mesh = plsc.VectorSubcoreMesh(core_axis_name="c", subcore_axis_name="s")

    @functools.partial(
        pl.kernel,
        mesh=mesh,
        out_type=jax.ShapeDtypeStruct((n_total, hidden), jnp.float32),
        scratch_types=[
            pltpu.VMEM((n_chunks, CHUNK), jnp.int32),
            pltpu.VMEM((3, CHUNK, hidden), jnp.float32),
            pltpu.SemaphoreType.DMA,
            pltpu.SemaphoreType.DMA,
            pltpu.SemaphoreType.DMA,
            pltpu.SemaphoreType.DMA,
            pltpu.SemaphoreType.DMA,
            pltpu.SemaphoreType.DMA,
        ],
    )
    def emb(idx_hbm, table_hbm, out_hbm, idx_v, rows_v, gsem0, gsem1, gsem2,
            osem0, osem1, osem2):
        gsems = (gsem0, gsem1, gsem2)
        osems = (osem0, osem1, osem2)
        wid = lax.axis_index("s") * 2 + lax.axis_index("c")
        base = wid * n_per_w

        def gather_start(c, slot):
            pltpu.async_copy(table_hbm.at[idx_v.at[c]], rows_v.at[slot],
                             gsems[slot])

        def gather_wait(c, slot):
            pltpu.make_async_copy(table_hbm.at[idx_v.at[c]], rows_v.at[slot],
                                  gsems[slot]).wait()

        def out_start(c, slot):
            pltpu.async_copy(rows_v.at[slot],
                             out_hbm.at[pl.ds(base + c * CHUNK, CHUNK)],
                             osems[slot])

        def out_wait(c, slot):
            pltpu.make_async_copy(rows_v.at[slot],
                                  out_hbm.at[pl.ds(base + c * CHUNK, CHUNK)],
                                  osems[slot]).wait()

        pltpu.sync_copy(idx_hbm.at[wid], idx_v)

        gather_start(0, 0)
        gather_start(1, 1)
        gather_start(2, 2)
        gather_wait(0, 0)
        out_start(0, 0)
        out_wait(0, 0)
        gather_start(3, 0)
        gather_wait(1, 1)
        out_start(1, 1)
        out_wait(1, 1)
        gather_start(4, 1)
        gather_wait(2, 2)
        out_start(2, 2)

        def step(i, _):
            for k in (0, 1, 2):
                c = 3 * i + 3 + k
                slot = k
                nslot = (k + 2) % 3
                out_wait(c - 1, nslot)
                gather_start(c + 2, nslot)
                gather_wait(c, slot)
                out_start(c, slot)
            return _

        lax.fori_loop(0, (n_chunks - 5) // 3, step, None)

        for c in (n_chunks - 2, n_chunks - 1):
            gather_wait(c, c % 3)
            out_start(c, c % 3)
        for c in (n_chunks - 3, n_chunks - 2, n_chunks - 1):
            out_wait(c, c % 3)

    return emb


def kernel(input_ids, word_embeddings):
    batch, seq = input_ids.shape
    vocab, hidden = word_embeddings.shape
    n_total = batch * seq
    n_per_w = n_total // NUM_WORKERS
    n_chunks = n_per_w // CHUNK

    idx = input_ids.reshape(NUM_WORKERS, n_chunks, CHUNK).astype(jnp.int32)
    out = _make_emb_kernel(n_total, n_chunks, hidden)(idx, word_embeddings)
    return out.reshape(batch, seq, hidden)

# --- scband reference (transcript-rebuilt; emitter-appended) ---
"""Pipeline reference for scband-mo-rembeddings-22557168239268 (READ-ONLY COPY).

The authoritative reference and input builder live on the scoring server;
editing this copy changes nothing except your own understanding.
"""

import jax, jax.numpy as jnp
import numpy as np

VOCAB = 100000
HIDDEN = 1024
BATCH = 4
SEQ = 8192

def setup_inputs(seed: int = 0) -> dict:
    key = jax.random.key(seed)
    k_idx, k_w = jax.random.split(key)
    input_ids = jax.random.randint(k_idx, (BATCH, SEQ), 0, VOCAB, dtype=jnp.int64 if jax.config.jax_enable_x64 else jnp.int32)
    word_embeddings = jax.random.normal(k_w, (VOCAB, HIDDEN), dtype=jnp.float32) * 0.02
    return {"input_ids": input_ids, "word_embeddings": word_embeddings}

def reference(input_ids, word_embeddings):
    # Equivalent of nn.Embedding(vocab_size, hidden_size)(input_ids)
    return jnp.take(word_embeddings, input_ids, axis=0)

if __name__ == "__main__":
    import jax
    _d = setup_inputs()
    print(jax.jit(kernel)(*tuple(_d.values())))

</pallas_src>

<mosaic_0001>
#map = affine_map<(d0, d1) -> (0, 0, 0)>
#map1 = affine_map<(d0, d1) -> (0, 0)>
module attributes {stable_mosaic.version = 14 : i64} {
  func.func @emb(%arg0: i32, %arg1: i32, %arg2: memref<32x32x32xi32, #tpu.memory_space<hbm>>, %arg3: memref<100000x1024xf32, #tpu.memory_space<hbm>>, %arg4: memref<32768x1024xf32, #tpu.memory_space<hbm>>, %arg5: memref<32x32xi32, #tpu.memory_space<vmem>>, %arg6: memref<3x32x1024xf32, #tpu.memory_space<vmem>>, %arg7: memref<!tpu.dma_semaphore, #tpu.memory_space<semaphore_mem>>, %arg8: memref<!tpu.dma_semaphore, #tpu.memory_space<semaphore_mem>>, %arg9: memref<!tpu.dma_semaphore, #tpu.memory_space<semaphore_mem>>, %arg10: memref<!tpu.dma_semaphore, #tpu.memory_space<semaphore_mem>>, %arg11: memref<!tpu.dma_semaphore, #tpu.memory_space<semaphore_mem>>, %arg12: memref<!tpu.dma_semaphore, #tpu.memory_space<semaphore_mem>>) attributes {dimension_semantics = [#tpu.dimension_semantics<core_parallel>, #tpu.dimension_semantics<subcore_parallel>], iteration_bounds = array<i64: 2, 16>, scalar_prefetch = 0 : i64, scratch_operands = 8 : i64, tpu.core_type = #tpu.core_type<sc_vector_subcore>, window_params = [{transform_indices = #map}, {transform_indices = #map1}, {transform_indices = #map1}]} {
    %mul3A = arith.constant 2 : i32
    %mul3A_0 = arith.muli %arg1, %mul3A : i32
    %add3A = arith.addi %mul3A_0, %arg0 : i32
    %mul3A_1 = arith.constant 1024 : i32
    %mul3A_2 = arith.muli %add3A, %mul3A_1 : i32
    "tpu.region"() ({
      %run_scoped3A = tpu.sem_alloc : memref<!tpu.dma_semaphore, #tpu.memory_space<semaphore_mem>>
      %dma_start3A_275 = arith.constant 0 : i32
      %dma_start3A_276 = arith.constant 0 : i32
      %dma_start3A_277 = tpu.memref_slice %arg2[%add3A, %dma_start3A_275, %dma_start3A_276] : memref<32x32x32xi32, #tpu.memory_space<hbm>> -> memref<1x32x32xi32, #tpu.memory_space<hbm>>
      %dma_start3A_278 = tpu.memref_squeeze %dma_start3A_277 : memref<1x32x32xi32, #tpu.memory_space<hbm>> -> memref<32x32xi32, #tpu.memory_space<hbm>>
      %dma_start3A_279 = arith.constant 0 : i32
      %dma_start3A_280 = arith.constant 0 : i32
      %dma_start3A_281 = tpu.memref_slice %arg2[%add3A, %dma_start3A_279, %dma_start3A_280] : memref<32x32x32xi32, #tpu.memory_space<hbm>> -> memref<1x32x32xi32, #tpu.memory_space<hbm>>
      %dma_start3A_282 = tpu.memref_squeeze %dma_start3A_281 : memref<1x32x32xi32, #tpu.memory_space<hbm>> -> memref<32x32xi32, #tpu.memory_space<hbm>>
      tpu.enqueue_dma source(%dma_start3A_282 : memref<32x32xi32, #tpu.memory_space<hbm>>) target(%arg5 : memref<32x32xi32, #tpu.memory_space<vmem>>) target_semaphore(%run_scoped3A : memref<!tpu.dma_semaphore, #tpu.memory_space<semaphore_mem>>)
      %dma_wait3A_283 = arith.constant 0 : i32
      %dma_wait3A_284 = arith.constant 0 : i32
      %dma_wait3A_285 = tpu.memref_slice %arg2[%add3A, %dma_wait3A_283, %dma_wait3A_284] : memref<32x32x32xi32, #tpu.memory_space<hbm>> -> memref<1x32x32xi32, #tpu.memory_space<hbm>>
      %dma_wait3A_286 = tpu.memref_squeeze %dma_wait3A_285 : memref<1x32x32xi32, #tpu.memory_space<hbm>> -> memref<32x32xi32, #tpu.memory_space<hbm>>
      %dma_wait3A_287 = arith.constant 0 : i32
      %dma_wait3A_288 = arith.constant 0 : i32
      %dma_wait3A_289 = tpu.memref_slice %arg2[%add3A, %dma_wait3A_287, %dma_wait3A_288] : memref<32x32x32xi32, #tpu.memory_space<hbm>> -> memref<1x32x32xi32, #tpu.memory_space<hbm>>
      %dma_wait3A_290 = tpu.memref_squeeze %dma_wait3A_289 : memref<1x32x32xi32, #tpu.memory_space<hbm>> -> memref<32x32xi32, #tpu.memory_space<hbm>>
      tpu.wait_dma2 semaphore(%run_scoped3A : memref<!tpu.dma_semaphore, #tpu.memory_space<semaphore_mem>>) src(%dma_wait3A_290 : memref<32x32xi32, #tpu.memory_space<hbm>>) dst(%arg5 : memref<32x32xi32, #tpu.memory_space<vmem>>)
      tpu.yield
    }) : () -> ()
    %dma_start3A = arith.constant 0 : i32
    %dma_start3A_3 = arith.constant 0 : i32
    %dma_start3A_4 = arith.constant 0 : i32
    %dma_start3A_5 = arith.constant 0 : i32
    %dma_start3A_6 = tpu.memref_slice %arg6[%dma_start3A_3, %dma_start3A_4, %dma_start3A_5] : memref<3x32x1024xf32, #tpu.memory_space<vmem>> -> memref<1x32x1024xf32, #tpu.memory_space<vmem>>
    %dma_start3A_7 = tpu.memref_squeeze %dma_start3A_6 : memref<1x32x1024xf32, #tpu.memory_space<vmem>> -> memref<32x1024xf32, #tpu.memory_space<vmem>>
    %dma_start3A_8 = arith.constant 0 : i32
    %dma_start3A_9 = tpu.memref_slice %arg5[%dma_start3A, %dma_start3A_8] : memref<32x32xi32, #tpu.memory_space<vmem>> -> memref<1x32xi32, #tpu.memory_space<vmem>>
    %dma_start3A_10 = tpu.memref_squeeze %dma_start3A_9 : memref<1x32xi32, #tpu.memory_space<vmem>> -> memref<32xi32, #tpu.memory_space<vmem>>
    %dma_start3A_11 = arith.constant 0 : i32
    %dma_start3A_12 = arith.constant 0 : i32
    %dma_start3A_13 = tpu.memref_slice %arg3[%dma_start3A_11, %dma_start3A_12] : memref<100000x1024xf32, #tpu.memory_space<hbm>> -> memref<100000x1024xf32, #tpu.memory_space<hbm>>
    tpu.enqueue_indirect_dma source(%dma_start3A_13 : memref<100000x1024xf32, #tpu.memory_space<hbm>>) target(%dma_start3A_7 : memref<32x1024xf32, #tpu.memory_space<vmem>>) offsets(%dma_start3A_10 : memref<32xi32, #tpu.memory_space<vmem>>) semaphore(%arg7 : memref<!tpu.dma_semaphore, #tpu.memory_space<semaphore_mem>>)
    %dma_start3A_14 = arith.constant 1 : i32
    %dma_start3A_15 = arith.constant 1 : i32
    %dma_start3A_16 = arith.constant 0 : i32
    %dma_start3A_17 = arith.constant 0 : i32
    %dma_start3A_18 = tpu.memref_slice %arg6[%dma_start3A_15, %dma_start3A_16, %dma_start3A_17] : memref<3x32x1024xf32, #tpu.memory_space<vmem>> -> memref<1x32x1024xf32, #tpu.memory_space<vmem>>
    %dma_start3A_19 = tpu.memref_squeeze %dma_start3A_18 : memref<1x32x1024xf32, #tpu.memory_space<vmem>> -> memref<32x1024xf32, #tpu.memory_space<vmem>>
    %dma_start3A_20 = arith.constant 0 : i32
    %dma_start3A_21 = tpu.memref_slice %arg5[%dma_start3A_14, %dma_start3A_20] : memref<32x32xi32, #tpu.memory_space<vmem>> -> memref<1x32xi32, #tpu.memory_space<vmem>>
    %dma_start3A_22 = tpu.memref_squeeze %dma_start3A_21 : memref<1x32xi32, #tpu.memory_space<vmem>> -> memref<32xi32, #tpu.memory_space<vmem>>
    %dma_start3A_23 = arith.constant 0 : i32
    %dma_start3A_24 = arith.constant 0 : i32
    %dma_start3A_25 = tpu.memref_slice %arg3[%dma_start3A_23, %dma_start3A_24] : memref<100000x1024xf32, #tpu.memory_space<hbm>> -> memref<100000x1024xf32, #tpu.memory_space<hbm>>
    tpu.enqueue_indirect_dma source(%dma_start3A_25 : memref<100000x1024xf32, #tpu.memory_space<hbm>>) target(%dma_start3A_19 : memref<32x1024xf32, #tpu.memory_space<vmem>>) offsets(%dma_start3A_22 : memref<32xi32, #tpu.memory_space<vmem>>) semaphore(%arg8 : memref<!tpu.dma_semaphore, #tpu.memory_space<semaphore_mem>>)
    %dma_start3A_26 = arith.constant 2 : i32
    %dma_start3A_27 = arith.constant 2 : i32
    %dma_start3A_28 = arith.constant 0 : i32
    %dma_start3A_29 = arith.constant 0 : i32
    %dma_start3A_30 = tpu.memref_slice %arg6[%dma_start3A_27, %dma_start3A_28, %dma_start3A_29] : memref<3x32x1024xf32, #tpu.memory_space<vmem>> -> memref<1x32x1024xf32, #tpu.memory_space<vmem>>
    %dma_start3A_31 = tpu.memref_squeeze %dma_start3A_30 : memref<1x32x1024xf32, #tpu.memory_space<vmem>> -> memref<32x1024xf32, #tpu.memory_space<vmem>>
    %dma_start3A_32 = arith.constant 0 : i32
    %dma_start3A_33 = tpu.memref_slice %arg5[%dma_start3A_26, %dma_start3A_32] : memref<32x32xi32, #tpu.memory_space<vmem>> -> memref<1x32xi32, #tpu.memory_space<vmem>>
    %dma_start3A_34 = tpu.memref_squeeze %dma_start3A_33 : memref<1x32xi32, #tpu.memory_space<vmem>> -> memref<32xi32, #tpu.memory_space<vmem>>
    %dma_start3A_35 = arith.constant 0 : i32
    %dma_start3A_36 = arith.constant 0 : i32
    %dma_start3A_37 = tpu.memref_slice %arg3[%dma_start3A_35, %dma_start3A_36] : memref<100000x1024xf32, #tpu.memory_space<hbm>> -> memref<100000x1024xf32, #tpu.memory_space<hbm>>
    tpu.enqueue_indirect_dma source(%dma_start3A_37 : memref<100000x1024xf32, #tpu.memory_space<hbm>>) target(%dma_start3A_31 : memref<32x1024xf32, #tpu.memory_space<vmem>>) offsets(%dma_start3A_34 : memref<32xi32, #tpu.memory_space<vmem>>) semaphore(%arg9 : memref<!tpu.dma_semaphore, #tpu.memory_space<semaphore_mem>>)
    %dma_wait3A = arith.constant 0 : i32
    %dma_wait3A_38 = arith.constant 0 : i32
    %dma_wait3A_39 = arith.constant 0 : i32
    %dma_wait3A_40 = arith.constant 0 : i32
    %dma_wait3A_41 = tpu.memref_slice %arg6[%dma_wait3A_38, %dma_wait3A_39, %dma_wait3A_40] : memref<3x32x1024xf32, #tpu.memory_space<vmem>> -> memref<1x32x1024xf32, #tpu.memory_space<vmem>>
    %dma_wait3A_42 = tpu.memref_squeeze %dma_wait3A_41 : memref<1x32x1024xf32, #tpu.memory_space<vmem>> -> memref<32x1024xf32, #tpu.memory_space<vmem>>
    %dma_wait3A_43 = arith.constant 0 : i32
    %dma_wait3A_44 = tpu.memref_slice %arg5[%dma_wait3A, %dma_wait3A_43] : memref<32x32xi32, #tpu.memory_space<vmem>> -> memref<1x32xi32, #tpu.memory_space<vmem>>
    %dma_wait3A_45 = tpu.memref_squeeze %dma_wait3A_44 : memref<1x32xi32, #tpu.memory_space<vmem>> -> memref<32xi32, #tpu.memory_space<vmem>>
    %dma_wait3A_46 = arith.constant 0 : i32
    %dma_wait3A_47 = arith.constant 0 : i32
    %dma_wait3A_48 = tpu.memref_slice %arg3[%dma_wait3A_46, %dma_wait3A_47] : memref<100000x1024xf32, #tpu.memory_space<hbm>> -> memref<100000x1024xf32, #tpu.memory_space<hbm>>
    tpu.wait_indirect_dma semaphore(%arg7 : memref<!tpu.dma_semaphore, #tpu.memory_space<semaphore_mem>>) src(%dma_wait3A_48 : memref<100000x1024xf32, #tpu.memory_space<hbm>>) dst(%dma_wait3A_42 : memref<32x1024xf32, #tpu.memory_space<vmem>>)
    %add3A_49 = arith.constant 0 : i32
    %add3A_50 = arith.addi %mul3A_2, %add3A_49 : i32
    %dma_start3A_51 = arith.constant 0 : i32
    %dma_start3A_52 = arith.constant 0 : i32
    %dma_start3A_53 = arith.constant 0 : i32
    %dma_start3A_54 = tpu.memref_slice %arg6[%dma_start3A_51, %dma_start3A_52, %dma_start3A_53] : memref<3x32x1024xf32, #tpu.memory_space<vmem>> -> memref<1x32x1024xf32, #tpu.memory_space<vmem>>
    %dma_start3A_55 = tpu.memref_squeeze %dma_start3A_54 : memref<1x32x1024xf32, #tpu.memory_space<vmem>> -> memref<32x1024xf32, #tpu.memory_space<vmem>>
    %dma_start3A_56 = arith.constant 0 : i32
    %dma_start3A_57 = tpu.memref_slice %arg4[%add3A_50, %dma_start3A_56] : memref<32768x1024xf32, #tpu.memory_space<hbm>> -> memref<32x1024xf32, #tpu.memory_space<hbm>>
    %dma_start3A_58 = arith.constant 0 : i32
    %dma_start3A_59 = tpu.memref_slice %arg4[%add3A_50, %dma_start3A_58] : memref<32768x1024xf32, #tpu.memory_space<hbm>> -> memref<32x1024xf32, #tpu.memory_space<hbm>>
    %dma_start3A_60 = arith.constant 0 : i32
    %dma_start3A_61 = arith.constant 0 : i32
    %dma_start3A_62 = tpu.memref_slice %arg6[%dma_start3A_51, %dma_start3A_60, %dma_start3A_61] : memref<3x32x1024xf32, #tpu.memory_space<vmem>> -> memref<1x32x1024xf32, #tpu.memory_space<vmem>>
    %dma_start3A_63 = tpu.memref_squeeze %dma_start3A_62 : memref<1x32x1024xf32, #tpu.memory_space<vmem>> -> memref<32x1024xf32, #tpu.memory_space<vmem>>
    tpu.enqueue_dma source(%dma_start3A_63 : memref<32x1024xf32, #tpu.memory_space<vmem>>) target(%dma_start3A_59 : memref<32x1024xf32, #tpu.memory_space<hbm>>) target_semaphore(%arg10 : memref<!tpu.dma_semaphore, #tpu.memory_space<semaphore_mem>>)
    %add3A_64 = arith.constant 0 : i32
    %add3A_65 = arith.addi %mul3A_2, %add3A_64 : i32
    %dma_wait3A_66 = arith.constant 0 : i32
    %dma_wait3A_67 = arith.constant 0 : i32
    %dma_wait3A_68 = arith.constant 0 : i32
    %dma_wait3A_69 = tpu.memref_slice %arg6[%dma_wait3A_66, %dma_wait3A_67, %dma_wait3A_68] : memref<3x32x1024xf32, #tpu.memory_space<vmem>> -> memref<1x32x1024xf32, #tpu.memory_space<vmem>>
    %dma_wait3A_70 = tpu.memref_squeeze %dma_wait3A_69 : memref<1x32x1024xf32, #tpu.memory_space<vmem>> -> memref<32x1024xf32, #tpu.memory_space<vmem>>
    %dma_wait3A_71 = arith.constant 0 : i32
    %dma_wait3A_72 = tpu.memref_slice %arg4[%add3A_65, %dma_wait3A_71] : memref<32768x1024xf32, #tpu.memory_space<hbm>> -> memref<32x1024xf32, #tpu.memory_space<hbm>>
    %dma_wait3A_73 = arith.constant 0 : i32
    %dma_wait3A_74 = tpu.memref_slice %arg4[%add3A_65, %dma_wait3A_73] : memref<32768x1024xf32, #tpu.memory_space<hbm>> -> memref<32x1024xf32, #tpu.memory_space<hbm>>
    %dma_wait3A_75 = arith.constant 0 : i32
    %dma_wait3A_76 = arith.constant 0 : i32
    %dma_wait3A_77 = tpu.memref_slice %arg6[%dma_wait3A_66, %dma_wait3A_75, %dma_wait3A_76] : memref<3x32x1024xf32, #tpu.memory_space<vmem>> -> memref<1x32x1024xf32, #tpu.memory_space<vmem>>
    %dma_wait3A_78 = tpu.memref_squeeze %dma_wait3A_77 : memref<1x32x1024xf32, #tpu.memory_space<vmem>> -> memref<32x1024xf32, #tpu.memory_space<vmem>>
    tpu.wait_dma2 semaphore(%arg10 : memref<!tpu.dma_semaphore, #tpu.memory_space<semaphore_mem>>) src(%dma_wait3A_78 : memref<32x1024xf32, #tpu.memory_space<vmem>>) dst(%dma_wait3A_74 : memref<32x1024xf32, #tpu.memory_space<hbm>>)
    %dma_start3A_79 = arith.constant 3 : i32
    %dma_start3A_80 = arith.constant 0 : i32
    %dma_start3A_81 = arith.constant 0 : i32
    %dma_start3A_82 = arith.constant 0 : i32
    %dma_start3A_83 = tpu.memref_slice %arg6[%dma_start3A_80, %dma_start3A_81, %dma_start3A_82] : memref<3x32x1024xf32, #tpu.memory_space<vmem>> -> memref<1x32x1024xf32, #tpu.memory_space<vmem>>
    %dma_start3A_84 = tpu.memref_squeeze %dma_start3A_83 : memref<1x32x1024xf32, #tpu.memory_space<vmem>> -> memref<32x1024xf32, #tpu.memory_space<vmem>>
    %dma_start3A_85 = arith.constant 0 : i32
    %dma_start3A_86 = tpu.memref_slice %arg5[%dma_start3A_79, %dma_start3A_85] : memref<32x32xi32, #tpu.memory_space<vmem>> -> memref<1x32xi32, #tpu.memory_space<vmem>>
    %dma_start3A_87 = tpu.memref_squeeze %dma_start3A_86 : memref<1x32xi32, #tpu.memory_space<vmem>> -> memref<32xi32, #tpu.memory_space<vmem>>
    %dma_start3A_88 = arith.constant 0 : i32
    %dma_start3A_89 = arith.constant 0 : i32
    %dma_start3A_90 = tpu.memref_slice %arg3[%dma_start3A_88, %dma_start3A_89] : memref<100000x1024xf32, #tpu.memory_space<hbm>> -> memref<100000x1024xf32, #tpu.memory_space<hbm>>
    tpu.enqueue_indirect_dma source(%dma_start3A_90 : memref<100000x1024xf32, #tpu.memory_space<hbm>>) target(%dma_start3A_84 : memref<32x1024xf32, #tpu.memory_space<vmem>>) offsets(%dma_start3A_87 : memref<32xi32, #tpu.memory_space<vmem>>) semaphore(%arg7 : memref<!tpu.dma_semaphore, #tpu.memory_space<semaphore_mem>>)
    %dma_wait3A_91 = arith.constant 1 : i32
    %dma_wait3A_92 = arith.constant 1 : i32
    %dma_wait3A_93 = arith.constant 0 : i32
    %dma_wait3A_94 = arith.constant 0 : i32
    %dma_wait3A_95 = tpu.memref_slice %arg6[%dma_wait3A_92, %dma_wait3A_93, %dma_wait3A_94] : memref<3x32x1024xf32, #tpu.memory_space<vmem>> -> memref<1x32x1024xf32, #tpu.memory_space<vmem>>
    %dma_wait3A_96 = tpu.memref_squeeze %dma_wait3A_95 : memref<1x32x1024xf32, #tpu.memory_space<vmem>> -> memref<32x1024xf32, #tpu.memory_space<vmem>>
    %dma_wait3A_97 = arith.constant 0 : i32
    %dma_wait3A_98 = tpu.memref_slice %arg5[%dma_wait3A_91, %dma_wait3A_97] : memref<32x32xi32, #tpu.memory_space<vmem>> -> memref<1x32xi32, #tpu.memory_space<vmem>>
    %dma_wait3A_99 = tpu.memref_squeeze %dma_wait3A_98 : memref<1x32xi32, #tpu.memory_space<vmem>> -> memref<32xi32, #tpu.memory_space<vmem>>
    %dma_wait3A_100 = arith.constant 0 : i32
    %dma_wait3A_101 = arith.constant 0 : i32
    %dma_wait3A_102 = tpu.memref_slice %arg3[%dma_wait3A_100, %dma_wait3A_101] : memref<100000x1024xf32, #tpu.memory_space<hbm>> -> memref<100000x1024xf32, #tpu.memory_space<hbm>>
    tpu.wait_indirect_dma semaphore(%arg8 : memref<!tpu.dma_semaphore, #tpu.memory_space<semaphore_mem>>) src(%dma_wait3A_102 : memref<100000x1024xf32, #tpu.memory_space<hbm>>) dst(%dma_wait3A_96 : memref<32x1024xf32, #tpu.memory_space<vmem>>)
    %add3A_103 = arith.constant 32 : i32
    %add3A_104 = arith.addi %mul3A_2, %add3A_103 : i32
    %dma_start3A_105 = arith.constant 1 : i32
    %dma_start3A_106 = arith.constant 0 : i32
    %dma_start3A_107 = arith.constant 0 : i32
    %dma_start3A_108 = tpu.memref_slice %arg6[%dma_start3A_105, %dma_start3A_106, %dma_start3A_107] : memref<3x32x1024xf32, #tpu.memory_space<vmem>> -> memref<1x32x1024xf32, #tpu.memory_space<vmem>>
    %dma_start3A_109 = tpu.memref_squeeze %dma_start3A_108 : memref<1x32x1024xf32, #tpu.memory_space<vmem>> -> memref<32x1024xf32, #tpu.memory_space<vmem>>
    %dma_start3A_110 = arith.constant 0 : i32
    %dma_start3A_111 = tpu.memref_slice %arg4[%add3A_104, %dma_start3A_110] : memref<32768x1024xf32, #tpu.memory_space<hbm>> -> memref<32x1024xf32, #tpu.memory_space<hbm>>
    %dma_start3A_112 = arith.constant 0 : i32
    %dma_start3A_113 = tpu.memref_slice %arg4[%add3A_104, %dma_start3A_112] : memref<32768x1024xf32, #tpu.memory_space<hbm>> -> memref<32x1024xf32, #tpu.memory_space<hbm>>
    %dma_start3A_114 = arith.constant 0 : i32
    %dma_start3A_115 = arith.constant 0 : i32
    %dma_start3A_116 = tpu.memref_slice %arg6[%dma_start3A_105, %dma_start3A_114, %dma_start3A_115] : memref<3x32x1024xf32, #tpu.memory_space<vmem>> -> memref<1x32x1024xf32, #tpu.memory_space<vmem>>
    %dma_start3A_117 = tpu.memref_squeeze %dma_start3A_116 : memref<1x32x1024xf32, #tpu.memory_space<vmem>> -> memref<32x1024xf32, #tpu.memory_space<vmem>>
    tpu.enqueue_dma source(%dma_start3A_117 : memref<32x1024xf32, #tpu.memory_space<vmem>>) target(%dma_start3A_113 : memref<32x1024xf32, #tpu.memory_space<hbm>>) target_semaphore(%arg11 : memref<!tpu.dma_semaphore, #tpu.memory_space<semaphore_mem>>)
    %add3A_118 = arith.constant 32 : i32
    %add3A_119 = arith.addi %mul3A_2, %add3A_118 : i32
    %dma_wait3A_120 = arith.constant 1 : i32
    %dma_wait3A_121 = arith.constant 0 : i32
    %dma_wait3A_122 = arith.constant 0 : i32
    %dma_wait3A_123 = tpu.memref_slice %arg6[%dma_wait3A_120, %dma_wait3A_121, %dma_wait3A_122] : memref<3x32x1024xf32, #tpu.memory_space<vmem>> -> memref<1x32x1024xf32, #tpu.memory_space<vmem>>
    %dma_wait3A_124 = tpu.memref_squeeze %dma_wait3A_123 : memref<1x32x1024xf32, #tpu.memory_space<vmem>> -> memref<32x1024xf32, #tpu.memory_space<vmem>>
    %dma_wait3A_125 = arith.constant 0 : i32
    %dma_wait3A_126 = tpu.memref_slice %arg4[%add3A_119, %dma_wait3A_125] : memref<32768x1024xf32, #tpu.memory_space<hbm>> -> memref<32x1024xf32, #tpu.memory_space<hbm>>
    %dma_wait3A_127 = arith.constant 0 : i32
    %dma_wait3A_128 = tpu.memref_slice %arg4[%add3A_119, %dma_wait3A_127] : memref<32768x1024xf32, #tpu.memory_space<hbm>> -> memref<32x1024xf32, #tpu.memory_space<hbm>>
    %dma_wait3A_129 = arith.constant 0 : i32
    %dma_wait3A_130 = arith.constant 0 : i32
    %dma_wait3A_131 = tpu.memref_slice %arg6[%dma_wait3A_120, %dma_wait3A_129, %dma_wait3A_130] : memref<3x32x1024xf32, #tpu.memory_space<vmem>> -> memref<1x32x1024xf32, #tpu.memory_space<vmem>>
    %dma_wait3A_132 = tpu.memref_squeeze %dma_wait3A_131 : memref<1x32x1024xf32, #tpu.memory_space<vmem>> -> memref<32x1024xf32, #tpu.memory_space<vmem>>
    tpu.wait_dma2 semaphore(%arg11 : memref<!tpu.dma_semaphore, #tpu.memory_space<semaphore_mem>>) src(%dma_wait3A_132 : memref<32x1024xf32, #tpu.memory_space<vmem>>) dst(%dma_wait3A_128 : memref<32x1024xf32, #tpu.memory_space<hbm>>)
    %dma_start3A_133 = arith.constant 4 : i32
    %dma_start3A_134 = arith.constant 1 : i32
    %dma_start3A_135 = arith.constant 0 : i32
    %dma_start3A_136 = arith.constant 0 : i32
    %dma_start3A_137 = tpu.memref_slice %arg6[%dma_start3A_134, %dma_start3A_135, %dma_start3A_136] : memref<3x32x1024xf32, #tpu.memory_space<vmem>> -> memref<1x32x1024xf32, #tpu.memory_space<vmem>>
    %dma_start3A_138 = tpu.memref_squeeze %dma_start3A_137 : memref<1x32x1024xf32, #tpu.memory_space<vmem>> -> memref<32x1024xf32, #tpu.memory_space<vmem>>
    %dma_start3A_139 = arith.constant 0 : i32
    %dma_start3A_140 = tpu.memref_slice %arg5[%dma_start3A_133, %dma_start3A_139] : memref<32x32xi32, #tpu.memory_space<vmem>> -> memref<1x32xi32, #tpu.memory_space<vmem>>
    %dma_start3A_141 = tpu.memref_squeeze %dma_start3A_140 : memref<1x32xi32, #tpu.memory_space<vmem>> -> memref<32xi32, #tpu.memory_space<vmem>>
    %dma_start3A_142 = arith.constant 0 : i32
    %dma_start3A_143 = arith.constant 0 : i32
    %dma_start3A_144 = tpu.memref_slice %arg3[%dma_start3A_142, %dma_start3A_143] : memref<100000x1024xf32, #tpu.memory_space<hbm>> -> memref<100000x1024xf32, #tpu.memory_space<hbm>>
    tpu.enqueue_indirect_dma source(%dma_start3A_144 : memref<100000x1024xf32, #tpu.memory_space<hbm>>) target(%dma_start3A_138 : memref<32x1024xf32, #tpu.memory_space<vmem>>) offsets(%dma_start3A_141 : memref<32xi32, #tpu.memory_space<vmem>>) semaphore(%arg8 : memref<!tpu.dma_semaphore, #tpu.memory_space<semaphore_mem>>)
    %dma_wait3A_145 = arith.constant 2 : i32
    %dma_wait3A_146 = arith.constant 2 : i32
    %dma_wait3A_147 = arith.constant 0 : i32
    %dma_wait3A_148 = arith.constant 0 : i32
    %dma_wait3A_149 = tpu.memref_slice %arg6[%dma_wait3A_146, %dma_wait3A_147, %dma_wait3A_148] : memref<3x32x1024xf32, #tpu.memory_space<vmem>> -> memref<1x32x1024xf32, #tpu.memory_space<vmem>>
    %dma_wait3A_150 = tpu.memref_squeeze %dma_wait3A_149 : memref<1x32x1024xf32, #tpu.memory_space<vmem>> -> memref<32x1024xf32, #tpu.memory_space<vmem>>
    %dma_wait3A_151 = arith.constant 0 : i32
    %dma_wait3A_152 = tpu.memref_slice %arg5[%dma_wait3A_145, %dma_wait3A_151] : memref<32x32xi32, #tpu.memory_space<vmem>> -> memref<1x32xi32, #tpu.memory_space<vmem>>
    %dma_wait3A_153 = tpu.memref_squeeze %dma_wait3A_152 : memref<1x32xi32, #tpu.memory_space<vmem>> -> memref<32xi32, #tpu.memory_space<vmem>>
    %dma_wait3A_154 = arith.constant 0 : i32
    %dma_wait3A_155 = arith.constant 0 : i32
    %dma_wait3A_156 = tpu.memref_slice %arg3[%dma_wait3A_154, %dma_wait3A_155] : memref<100000x1024xf32, #tpu.memory_space<hbm>> -> memref<100000x1024xf32, #tpu.memory_space<hbm>>
    tpu.wait_indirect_dma semaphore(%arg9 : memref<!tpu.dma_semaphore, #tpu.memory_space<semaphore_mem>>) src(%dma_wait3A_156 : memref<100000x1024xf32, #tpu.memory_space<hbm>>) dst(%dma_wait3A_150 : memref<32x1024xf32, #tpu.memory_space<vmem>>)
    %add3A_157 = arith.constant 64 : i32
    %add3A_158 = arith.addi %mul3A_2, %add3A_157 : i32
    %dma_start3A_159 = arith.constant 2 : i32
    %dma_start3A_160 = arith.constant 0 : i32
    %dma_start3A_161 = arith.constant 0 : i32
    %dma_start3A_162 = tpu.memref_slice %arg6[%dma_start3A_159, %dma_start3A_160, %dma_start3A_161] : memref<3x32x1024xf32, #tpu.memory_space<vmem>> -> memref<1x32x1024xf32, #tpu.memory_space<vmem>>
    %dma_start3A_163 = tpu.memref_squeeze %dma_start3A_162 : memref<1x32x1024xf32, #tpu.memory_space<vmem>> -> memref<32x1024xf32, #tpu.memory_space<vmem>>
    %dma_start3A_164 = arith.constant 0 : i32
    %dma_start3A_165 = tpu.memref_slice %arg4[%add3A_158, %dma_start3A_164] : memref<32768x1024xf32, #tpu.memory_space<hbm>> -> memref<32x1024xf32, #tpu.memory_space<hbm>>
    %dma_start3A_166 = arith.constant 0 : i32
    %dma_start3A_167 = tpu.memref_slice %arg4[%add3A_158, %dma_start3A_166] : memref<32768x1024xf32, #tpu.memory_space<hbm>> -> memref<32x1024xf32, #tpu.memory_space<hbm>>
    %dma_start3A_168 = arith.constant 0 : i32
    %dma_start3A_169 = arith.constant 0 : i32
    %dma_start3A_170 = tpu.memref_slice %arg6[%dma_start3A_159, %dma_start3A_168, %dma_start3A_169] : memref<3x32x1024xf32, #tpu.memory_space<vmem>> -> memref<1x32x1024xf32, #tpu.memory_space<vmem>>
    %dma_start3A_171 = tpu.memref_squeeze %dma_start3A_170 : memref<1x32x1024xf32, #tpu.memory_space<vmem>> -> memref<32x1024xf32, #tpu.memory_space<vmem>>
    tpu.enqueue_dma source(%dma_start3A_171 : memref<32x1024xf32, #tpu.memory_space<vmem>>) target(%dma_start3A_167 : memref<32x1024xf32, #tpu.memory_space<hbm>>) target_semaphore(%arg12 : memref<!tpu.dma_semaphore, #tpu.memory_space<semaphore_mem>>)
    %scan3A = arith.constant 0 : i32
    %scan3A_172 = arith.constant 9 : i32
    %scan3A_173 = arith.addi %scan3A, %scan3A_172 : i32
    %scan3A_174 = arith.constant 1 : i32
    scf.for %scan3A_275 = %scan3A to %scan3A_173 step %scan3A_174  : i32 {
      %mul3A_276 = arith.constant 3 : i32
      %mul3A_277 = arith.muli %mul3A_276, %scan3A_275 : i32
      %add3A_278 = arith.constant 3 : i32
      %add3A_279 = arith.addi %mul3A_277, %add3A_278 : i32
      %add3A_280 = arith.constant 0 : i32
      %add3A_281 = arith.addi %add3A_279, %add3A_280 : i32
      %sub3A = arith.constant 1 : i32
      %sub3A_282 = arith.subi %add3A_281, %sub3A : i32
      %mul3A_283 = arith.constant 32 : i32
      %mul3A_284 = arith.muli %sub3A_282, %mul3A_283 : i32
      %add3A_285 = arith.addi %mul3A_2, %mul3A_284 : i32
      %dma_wait3A_286 = arith.constant 2 : i32
      %dma_wait3A_287 = arith.constant 0 : i32
      %dma_wait3A_288 = arith.constant 0 : i32
      %dma_wait3A_289 = tpu.memref_slice %arg6[%dma_wait3A_286, %dma_wait3A_287, %dma_wait3A_288] : memref<3x32x1024xf32, #tpu.memory_space<vmem>> -> memref<1x32x1024xf32, #tpu.memory_space<vmem>>
      %dma_wait3A_290 = tpu.memref_squeeze %dma_wait3A_289 : memref<1x32x1024xf32, #tpu.memory_space<vmem>> -> memref<32x1024xf32, #tpu.memory_space<vmem>>
      %dma_wait3A_291 = arith.constant 0 : i32
      %dma_wait3A_292 = tpu.memref_slice %arg4[%add3A_285, %dma_wait3A_291] : memref<32768x1024xf32, #tpu.memory_space<hbm>> -> memref<32x1024xf32, #tpu.memory_space<hbm>>
      %dma_wait3A_293 = arith.constant 0 : i32
      %dma_wait3A_294 = tpu.memref_slice %arg4[%add3A_285, %dma_wait3A_293] : memref<32768x1024xf32, #tpu.memory_space<hbm>> -> memref<32x1024xf32, #tpu.memory_space<hbm>>
      %dma_wait3A_295 = arith.constant 0 : i32
      %dma_wait3A_296 = arith.constant 0 : i32
      %dma_wait3A_297 = tpu.memref_slice %arg6[%dma_wait3A_286, %dma_wait3A_295, %dma_wait3A_296] : memref<3x32x1024xf32, #tpu.memory_space<vmem>> -> memref<1x32x1024xf32, #tpu.memory_space<vmem>>
      %dma_wait3A_298 = tpu.memref_squeeze %dma_wait3A_297 : memref<1x32x1024xf32, #tpu.memory_space<vmem>> -> memref<32x1024xf32, #tpu.memory_space<vmem>>
      tpu.wait_dma2 semaphore(%arg12 : memref<!tpu.dma_semaphore, #tpu.memory_space<semaphore_mem>>) src(%dma_wait3A_298 : memref<32x1024xf32, #tpu.memory_space<vmem>>) dst(%dma_wait3A_294 : memref<32x1024xf32, #tpu.memory_space<hbm>>)
      %add3A_299 = arith.constant 2 : i32
      %add3A_300 = arith.addi %add3A_281, %add3A_299 : i32
      %dma_start3A_301 = arith.constant 2 : i32
      %dma_start3A_302 = arith.constant 0 : i32
      %dma_start3A_303 = arith.constant 0 : i32
      %dma_start3A_304 = tpu.memref_slice %arg6[%dma_start3A_301, %dma_start3A_302, %dma_start3A_303] : memref<3x32x1024xf32, #tpu.memory_space<vmem>> -> memref<1x32x1024xf32, #tpu.memory_space<vmem>>
      %dma_start3A_305 = tpu.memref_squeeze %dma_start3A_304 : memref<1x32x1024xf32, #tpu.memory_space<vmem>> -> memref<32x1024xf32, #tpu.memory_space<vmem>>
      %dma_start3A_306 = arith.constant 0 : i32
      %dma_start3A_307 = tpu.memref_slice %arg5[%add3A_300, %dma_start3A_306] : memref<32x32xi32, #tpu.memory_space<vmem>> -> memref<1x32xi32, #tpu.memory_space<vmem>>
      %dma_start3A_308 = tpu.memref_squeeze %dma_start3A_307 : memref<1x32xi32, #tpu.memory_space<vmem>> -> memref<32xi32, #tpu.memory_space<vmem>>
      %dma_start3A_309 = arith.constant 0 : i32
      %dma_start3A_310 = arith.constant 0 : i32
      %dma_start3A_311 = tpu.memref_slice %arg3[%dma_start3A_309, %dma_start3A_310] : memref<100000x1024xf32, #tpu.memory_space<hbm>> -> memref<100000x1024xf32, #tpu.memory_space<hbm>>
      tpu.enqueue_indirect_dma source(%dma_start3A_311 : memref<100000x1024xf32, #tpu.memory_space<hbm>>) target(%dma_start3A_305 : memref<32x1024xf32, #tpu.memory_space<vmem>>) offsets(%dma_start3A_308 : memref<32xi32, #tpu.memory_space<vmem>>) semaphore(%arg9 : memref<!tpu.dma_semaphore, #tpu.memory_space<semaphore_mem>>)
      %dma_wait3A_312 = arith.constant 0 : i32
      %dma_wait3A_313 = arith.constant 0 : i32
      %dma_wait3A_314 = arith.constant 0 : i32
      %dma_wait3A_315 = tpu.memref_slice %arg6[%dma_wait3A_312, %dma_wait3A_313, %dma_wait3A_314] : memref<3x32x1024xf32, #tpu.memory_space<vmem>> -> memref<1x32x1024xf32, #tpu.memory_space<vmem>>
      %dma_wait3A_316 = tpu.memref_squeeze %dma_wait3A_315 : memref<1x32x1024xf32, #tpu.memory_space<vmem>> -> memref<32x1024xf32, #tpu.memory_space<vmem>>
      %dma_wait3A_317 = arith.constant 0 : i32
      %dma_wait3A_318 = tpu.memref_slice %arg5[%add3A_281, %dma_wait3A_317] : memref<32x32xi32, #tpu.memory_space<vmem>> -> memref<1x32xi32, #tpu.memory_space<vmem>>
      %dma_wait3A_319 = tpu.memref_squeeze %dma_wait3A_318 : memref<1x32xi32, #tpu.memory_space<vmem>> -> memref<32xi32, #tpu.memory_space<vmem>>
      %dma_wait3A_320 = arith.constant 0 : i32
      %dma_wait3A_321 = arith.constant 0 : i32
      %dma_wait3A_322 = tpu.memref_slice %arg3[%dma_wait3A_320, %dma_wait3A_321] : memref<100000x1024xf32, #tpu.memory_space<hbm>> -> memref<100000x1024xf32, #tpu.memory_space<hbm>>
      tpu.wait_indirect_dma semaphore(%arg7 : memref<!tpu.dma_semaphore, #tpu.memory_space<semaphore_mem>>) src(%dma_wait3A_322 : memref<100000x1024xf32, #tpu.memory_space<hbm>>) dst(%dma_wait3A_316 : memref<32x1024xf32, #tpu.memory_space<vmem>>)
      %mul3A_323 = arith.constant 32 : i32
      %mul3A_324 = arith.muli %add3A_281, %mul3A_323 : i32
      %add3A_325 = arith.addi %mul3A_2, %mul3A_324 : i32
      %dma_start3A_326 = arith.constant 0 : i32
      %dma_start3A_327 = arith.constant 0 : i32
      %dma_start3A_328 = arith.constant 0 : i32
      %dma_start3A_329 = tpu.memref_slice %arg6[%dma_start3A_326, %dma_start3A_327, %dma_start3A_328] : memref<3x32x1024xf32, #tpu.memory_space<vmem>> -> memref<1x32x1024xf32, #tpu.memory_space<vmem>>
      %dma_start3A_330 = tpu.memref_squeeze %dma_start3A_329 : memref<1x32x1024xf32, #tpu.memory_space<vmem>> -> memref<32x1024xf32, #tpu.memory_space<vmem>>
      %dma_start3A_331 = arith.constant 0 : i32
      %dma_start3A_332 = tpu.memref_slice %arg4[%add3A_325, %dma_start3A_331] : memref<32768x1024xf32, #tpu.memory_space<hbm>> -> memref<32x1024xf32, #tpu.memory_space<hbm>>
      %dma_start3A_333 = arith.constant 0 : i32
      %dma_start3A_334 = tpu.memref_slice %arg4[%add3A_325, %dma_start3A_333] : memref<32768x1024xf32, #tpu.memory_space<hbm>> -> memref<32x1024xf32, #tpu.memory_space<hbm>>
      %dma_start3A_335 = arith.constant 0 : i32
      %dma_start3A_336 = arith.constant 0 : i32
      %dma_start3A_337 = tpu.memref_slice %arg6[%dma_start3A_326, %dma_start3A_335, %dma_start3A_336] : memref<3x32x1024xf32, #tpu.memory_space<vmem>> -> memref<1x32x1024xf32, #tpu.memory_space<vmem>>
      %dma_start3A_338 = tpu.memref_squeeze %dma_start3A_337 : memref<1x32x1024xf32, #tpu.memory_space<vmem>> -> memref<32x1024xf32, #tpu.memory_space<vmem>>
      tpu.enqueue_dma source(%dma_start3A_338 : memref<32x1024xf32, #tpu.memory_space<vmem>>) target(%dma_start3A_334 : memref<32x1024xf32, #tpu.memory_space<hbm>>) target_semaphore(%arg10 : memref<!tpu.dma_semaphore, #tpu.memory_space<semaphore_mem>>)
      %mul3A_339 = arith.constant 3 : i32
      %mul3A_340 = arith.muli %mul3A_339, %scan3A_275 : i32
      %add3A_341 = arith.constant 3 : i32
      %add3A_342 = arith.addi %mul3A_340, %add3A_341 : i32
      %add3A_343 = arith.constant 1 : i32
      %add3A_344 = arith.addi %add3A_342, %add3A_343 : i32
      %sub3A_345 = arith.constant 1 : i32
      %sub3A_346 = arith.subi %add3A_344, %sub3A_345 : i32
      %mul3A_347 = arith.constant 32 : i32
      %mul3A_348 = arith.muli %sub3A_346, %mul3A_347 : i32
      %add3A_349 = arith.addi %mul3A_2, %mul3A_348 : i32
      %dma_wait3A_350 = arith.constant 0 : i32
      %dma_wait3A_351 = arith.constant 0 : i32
      %dma_wait3A_352 = arith.constant 0 : i32
      %dma_wait3A_353 = tpu.memref_slice %arg6[%dma_wait3A_350, %dma_wait3A_351, %dma_wait3A_352] : memref<3x32x1024xf32, #tpu.memory_space<vmem>> -> memref<1x32x1024xf32, #tpu.memory_space<vmem>>
      %dma_wait3A_354 = tpu.memref_squeeze %dma_wait3A_353 : memref<1x32x1024xf32, #tpu.memory_space<vmem>> -> memref<32x1024xf32, #tpu.memory_space<vmem>>
      %dma_wait3A_355 = arith.constant 0 : i32
      %dma_wait3A_356 = tpu.memref_slice %arg4[%add3A_349, %dma_wait3A_355] : memref<32768x1024xf32, #tpu.memory_space<hbm>> -> memref<32x1024xf32, #tpu.memory_space<hbm>>
      %dma_wait3A_357 = arith.constant 0 : i32
      %dma_wait3A_358 = tpu.memref_slice %arg4[%add3A_349, %dma_wait3A_357] : memref<32768x1024xf32, #tpu.memory_space<hbm>> -> memref<32x1024xf32, #tpu.memory_space<hbm>>
      %dma_wait3A_359 = arith.constant 0 : i32
      %dma_wait3A_360 = arith.constant 0 : i32
      %dma_wait3A_361 = tpu.memref_slice %arg6[%dma_wait3A_350, %dma_wait3A_359, %dma_wait3A_360] : memref<3x32x1024xf32, #tpu.memory_space<vmem>> -> memref<1x32x1024xf32, #tpu.memory_space<vmem>>
      %dma_wait3A_362 = tpu.memref_squeeze %dma_wait3A_361 : memref<1x32x1024xf32, #tpu.memory_space<vmem>> -> memref<32x1024xf32, #tpu.memory_space<vmem>>
      tpu.wait_dma2 semaphore(%arg10 : memref<!tpu.dma_semaphore, #tpu.memory_space<semaphore_mem>>) src(%dma_wait3A_362 : memref<32x1024xf32, #tpu.memory_space<vmem>>) dst(%dma_wait3A_358 : memref<32x1024xf32, #tpu.memory_space<hbm>>)
      %add3A_363 = arith.constant 2 : i32
      %add3A_364 = arith.addi %add3A_344, %add3A_363 : i32
      %dma_start3A_365 = arith.constant 0 : i32
      %dma_start3A_366 = arith.constant 0 : i32
      %dma_start3A_367 = arith.constant 0 : i32
      %dma_start3A_368 = tpu.memref_slice %arg6[%dma_start3A_365, %dma_start3A_366, %dma_start3A_367] : memref<3x32x1024xf32, #tpu.memory_space<vmem>> -> memref<1x32x1024xf32, #tpu.memory_space<vmem>>
      %dma_start3A_369 = tpu.memref_squeeze %dma_start3A_368 : memref<1x32x1024xf32, #tpu.memory_space<vmem>> -> memref<32x1024xf32, #tpu.memory_space<vmem>>
      %dma_start3A_370 = arith.constant 0 : i32
      %dma_start3A_371 = tpu.memref_slice %arg5[%add3A_364, %dma_start3A_370] : memref<32x32xi32, #tpu.memory_space<vmem>> -> memref<1x32xi32, #tpu.memory_space<vmem>>
      %dma_start3A_372 = tpu.memref_squeeze %dma_start3A_371 : memref<1x32xi32, #tpu.memory_space<vmem>> -> memref<32xi32, #tpu.memory_space<vmem>>
      %dma_start3A_373 = arith.constant 0 : i32
      %dma_start3A_374 = arith.constant 0 : i32
      %dma_start3A_375 = tpu.memref_slice %arg3[%dma_start3A_373, %dma_start3A_374] : memref<100000x1024xf32, #tpu.memory_space<hbm>> -> memref<100000x1024xf32, #tpu.memory_space<hbm>>
      tpu.enqueue_indirect_dma source(%dma_start3A_375 : memref<100000x1024xf32, #tpu.memory_space<hbm>>) target(%dma_start3A_369 : memref<32x1024xf32, #tpu.memory_space<vmem>>) offsets(%dma_start3A_372 : memref<32xi32, #tpu.memory_space<vmem>>) semaphore(%arg7 : memref<!tpu.dma_semaphore, #tpu.memory_space<semaphore_mem>>)
      %dma_wait3A_376 = arith.constant 1 : i32
      %dma_wait3A_377 = arith.constant 0 : i32
      %dma_wait3A_378 = arith.constant 0 : i32
      %dma_wait3A_379 = tpu.memref_slice %arg6[%dma_wait3A_376, %dma_wait3A_377, %dma_wait3A_378] : memref<3x32x1024xf32, #tpu.memory_space<vmem>> -> memref<1x32x1024xf32, #tpu.memory_space<vmem>>
      %dma_wait3A_380 = tpu.memref_squeeze %dma_wait3A_379 : memref<1x32x1024xf32, #tpu.memory_space<vmem>> -> memref<32x1024xf32, #tpu.memory_space<vmem>>
      %dma_wait3A_381 = arith.constant 0 : i32
      %dma_wait3A_382 = tpu.memref_slice %arg5[%add3A_344, %dma_wait3A_381] : memref<32x32xi32, #tpu.memory_space<vmem>> -> memref<1x32xi32, #tpu.memory_space<vmem>>
      %dma_wait3A_383 = tpu.memref_squeeze %dma_wait3A_382 : memref<1x32xi32, #tpu.memory_space<vmem>> -> memref<32xi32, #tpu.memory_space<vmem>>
      %dma_wait3A_384 = arith.constant 0 : i32
      %dma_wait3A_385 = arith.constant 0 : i32
      %dma_wait3A_386 = tpu.memref_slice %arg3[%dma_wait3A_384, %dma_wait3A_385] : memref<100000x1024xf32, #tpu.memory_space<hbm>> -> memref<100000x1024xf32, #tpu.memory_space<hbm>>
      tpu.wait_indirect_dma semaphore(%arg8 : memref<!tpu.dma_semaphore, #tpu.memory_space<semaphore_mem>>) src(%dma_wait3A_386 : memref<100000x1024xf32, #tpu.memory_space<hbm>>) dst(%dma_wait3A_380 : memref<32x1024xf32, #tpu.memory_space<vmem>>)
      %mul3A_387 = arith.constant 32 : i32
      %mul3A_388 = arith.muli %add3A_344, %mul3A_387 : i32
      %add3A_389 = arith.addi %mul3A_2, %mul3A_388 : i32
      %dma_start3A_390 = arith.constant 1 : i32
      %dma_start3A_391 = arith.constant 0 : i32
      %dma_start3A_392 = arith.constant 0 : i32
      %dma_start3A_393 = tpu.memref_slice %arg6[%dma_start3A_390, %dma_start3A_391, %dma_start3A_392] : memref<3x32x1024xf32, #tpu.memory_space<vmem>> -> memref<1x32x1024xf32, #tpu.memory_space<vmem>>
      %dma_start3A_394 = tpu.memref_squeeze %dma_start3A_393 : memref<1x32x1024xf32, #tpu.memory_space<vmem>> -> memref<32x1024xf32, #tpu.memory_space<vmem>>
      %dma_start3A_395 = arith.constant 0 : i32
      %dma_start3A_396 = tpu.memref_slice %arg4[%add3A_389, %dma_start3A_395] : memref<32768x1024xf32, #tpu.memory_space<hbm>> -> memref<32x1024xf32, #tpu.memory_space<hbm>>
      %dma_start3A_397 = arith.constant 0 : i32
      %dma_start3A_398 = tpu.memref_slice %arg4[%add3A_389, %dma_start3A_397] : memref<32768x1024xf32, #tpu.memory_space<hbm>> -> memref<32x1024xf32, #tpu.memory_space<hbm>>
      %dma_start3A_399 = arith.constant 0 : i32
      %dma_start3A_400 = arith.constant 0 : i32
      %dma_start3A_401 = tpu.memref_slice %arg6[%dma_start3A_390, %dma_start3A_399, %dma_start3A_400] : memref<3x32x1024xf32, #tpu.memory_space<vmem>> -> memref<1x32x1024xf32, #tpu.memory_space<vmem>>
      %dma_start3A_402 = tpu.memref_squeeze %dma_start3A_401 : memref<1x32x1024xf32, #tpu.memory_space<vmem>> -> memref<32x1024xf32, #tpu.memory_space<vmem>>
      tpu.enqueue_dma source(%dma_start3A_402 : memref<32x1024xf32, #tpu.memory_space<vmem>>) target(%dma_start3A_398 : memref<32x1024xf32, #tpu.memory_space<hbm>>) target_semaphore(%arg11 : memref<!tpu.dma_semaphore, #tpu.memory_space<semaphore_mem>>)
      %mul3A_403 = arith.constant 3 : i32
      %mul3A_404 = arith.muli %mul3A_403, %scan3A_275 : i32
      %add3A_405 = arith.constant 3 : i32
      %add3A_406 = arith.addi %mul3A_404, %add3A_405 : i32
      %add3A_407 = arith.constant 2 : i32
      %add3A_408 = arith.addi %add3A_406, %add3A_407 : i32
      %sub3A_409 = arith.constant 1 : i32
      %sub3A_410 = arith.subi %add3A_408, %sub3A_409 : i32
      %mul3A_411 = arith.constant 32 : i32
      %mul3A_412 = arith.muli %sub3A_410, %mul3A_411 : i32
      %add3A_413 = arith.addi %mul3A_2, %mul3A_412 : i32
      %dma_wait3A_414 = arith.constant 1 : i32
      %dma_wait3A_415 = arith.constant 0 : i32
      %dma_wait3A_416 = arith.constant 0 : i32
      %dma_wait3A_417 = tpu.memref_slice %arg6[%dma_wait3A_414, %dma_wait3A_415, %dma_wait3A_416] : memref<3x32x1024xf32, #tpu.memory_space<vmem>> -> memref<1x32x1024xf32, #tpu.memory_space<vmem>>
      %dma_wait3A_418 = tpu.memref_squeeze %dma_wait3A_417 : memref<1x32x1024xf32, #tpu.memory_space<vmem>> -> memref<32x1024xf32, #tpu.memory_space<vmem>>
      %dma_wait3A_419 = arith.constant 0 : i32
      %dma_wait3A_420 = tpu.memref_slice %arg4[%add3A_413, %dma_wait3A_419] : memref<32768x1024xf32, #tpu.memory_space<hbm>> -> memref<32x1024xf32, #tpu.memory_space<hbm>>
      %dma_wait3A_421 = arith.constant 0 : i32
      %dma_wait3A_422 = tpu.memref_slice %arg4[%add3A_413, %dma_wait3A_421] : memref<32768x1024xf32, #tpu.memory_space<hbm>> -> memref<32x1024xf32, #tpu.memory_space<hbm>>
      %dma_wait3A_423 = arith.constant 0 : i32
      %dma_wait3A_424 = arith.constant 0 : i32
      %dma_wait3A_425 = tpu.memref_slice %arg6[%dma_wait3A_414, %dma_wait3A_423, %dma_wait3A_424] : memref<3x32x1024xf32, #tpu.memory_space<vmem>> -> memref<1x32x1024xf32, #tpu.memory_space<vmem>>
      %dma_wait3A_426 = tpu.memref_squeeze %dma_wait3A_425 : memref<1x32x1024xf32, #tpu.memory_space<vmem>> -> memref<32x1024xf32, #tpu.memory_space<vmem>>
      tpu.wait_dma2 semaphore(%arg11 : memref<!tpu.dma_semaphore, #tpu.memory_space<semaphore_mem>>) src(%dma_wait3A_426 : memref<32x1024xf32, #tpu.memory_space<vmem>>) dst(%dma_wait3A_422 : memref<32x1024xf32, #tpu.memory_space<hbm>>)
      %add3A_427 = arith.constant 2 : i32
      %add3A_428 = arith.addi %add3A_408, %add3A_427 : i32
      %dma_start3A_429 = arith.constant 1 : i32
      %dma_start3A_430 = arith.constant 0 : i32
      %dma_start3A_431 = arith.constant 0 : i32
      %dma_start3A_432 = tpu.memref_slice %arg6[%dma_start3A_429, %dma_start3A_430, %dma_start3A_431] : memref<3x32x1024xf32, #tpu.memory_space<vmem>> -> memref<1x32x1024xf32, #tpu.memory_space<vmem>>
      %dma_start3A_433 = tpu.memref_squeeze %dma_start3A_432 : memref<1x32x1024xf32, #tpu.memory_space<vmem>> -> memref<32x1024xf32, #tpu.memory_space<vmem>>
      %dma_start3A_434 = arith.constant 0 : i32
      %dma_start3A_435 = tpu.memref_slice %arg5[%add3A_428, %dma_start3A_434] : memref<32x32xi32, #tpu.memory_space<vmem>> -> memref<1x32xi32, #tpu.memory_space<vmem>>
      %dma_start3A_436 = tpu.memref_squeeze %dma_start3A_435 : memref<1x32xi32, #tpu.memory_space<vmem>> -> memref<32xi32, #tpu.memory_space<vmem>>
      %dma_start3A_437 = arith.constant 0 : i32
      %dma_start3A_438 = arith.constant 0 : i32
      %dma_start3A_439 = tpu.memref_slice %arg3[%dma_start3A_437, %dma_start3A_438] : memref<100000x1024xf32, #tpu.memory_space<hbm>> -> memref<100000x1024xf32, #tpu.memory_space<hbm>>
      tpu.enqueue_indirect_dma source(%dma_start3A_439 : memref<100000x1024xf32, #tpu.memory_space<hbm>>) target(%dma_start3A_433 : memref<32x1024xf32, #tpu.memory_space<vmem>>) offsets(%dma_start3A_436 : memref<32xi32, #tpu.memory_space<vmem>>) semaphore(%arg8 : memref<!tpu.dma_semaphore, #tpu.memory_space<semaphore_mem>>)
      %dma_wait3A_440 = arith.constant 2 : i32
      %dma_wait3A_441 = arith.constant 0 : i32
      %dma_wait3A_442 = arith.constant 0 : i32
      %dma_wait3A_443 = tpu.memref_slice %arg6[%dma_wait3A_440, %dma_wait3A_441, %dma_wait3A_442] : memref<3x32x1024xf32, #tpu.memory_space<vmem>> -> memref<1x32x1024xf32, #tpu.memory_space<vmem>>
      %dma_wait3A_444 = tpu.memref_squeeze %dma_wait3A_443 : memref<1x32x1024xf32, #tpu.memory_space<vmem>> -> memref<32x1024xf32, #tpu.memory_space<vmem>>
      %dma_wait3A_445 = arith.constant 0 : i32
      %dma_wait3A_446 = tpu.memref_slice %arg5[%add3A_408, %dma_wait3A_445] : memref<32x32xi32, #tpu.memory_space<vmem>> -> memref<1x32xi32, #tpu.memory_space<vmem>>
      %dma_wait3A_447 = tpu.memref_squeeze %dma_wait3A_446 : memref<1x32xi32, #tpu.memory_space<vmem>> -> memref<32xi32, #tpu.memory_space<vmem>>
      %dma_wait3A_448 = arith.constant 0 : i32
      %dma_wait3A_449 = arith.constant 0 : i32
      %dma_wait3A_450 = tpu.memref_slice %arg3[%dma_wait3A_448, %dma_wait3A_449] : memref<100000x1024xf32, #tpu.memory_space<hbm>> -> memref<100000x1024xf32, #tpu.memory_space<hbm>>
      tpu.wait_indirect_dma semaphore(%arg9 : memref<!tpu.dma_semaphore, #tpu.memory_space<semaphore_mem>>) src(%dma_wait3A_450 : memref<100000x1024xf32, #tpu.memory_space<hbm>>) dst(%dma_wait3A_444 : memref<32x1024xf32, #tpu.memory_space<vmem>>)
      %mul3A_451 = arith.constant 32 : i32
      %mul3A_452 = arith.muli %add3A_408, %mul3A_451 : i32
      %add3A_453 = arith.addi %mul3A_2, %mul3A_452 : i32
      %dma_start3A_454 = arith.constant 2 : i32
      %dma_start3A_455 = arith.constant 0 : i32
      %dma_start3A_456 = arith.constant 0 : i32
      %dma_start3A_457 = tpu.memref_slice %arg6[%dma_start3A_454, %dma_start3A_455, %dma_start3A_456] : memref<3x32x1024xf32, #tpu.memory_space<vmem>> -> memref<1x32x1024xf32, #tpu.memory_space<vmem>>
      %dma_start3A_458 = tpu.memref_squeeze %dma_start3A_457 : memref<1x32x1024xf32, #tpu.memory_space<vmem>> -> memref<32x1024xf32, #tpu.memory_space<vmem>>
      %dma_start3A_459 = arith.constant 0 : i32
      %dma_start3A_460 = tpu.memref_slice %arg4[%add3A_453, %dma_start3A_459] : memref<32768x1024xf32, #tpu.memory_space<hbm>> -> memref<32x1024xf32, #tpu.memory_space<hbm>>
      %dma_start3A_461 = arith.constant 0 : i32
      %dma_start3A_462 = tpu.memref_slice %arg4[%add3A_453, %dma_start3A_461] : memref<32768x1024xf32, #tpu.memory_space<hbm>> -> memref<32x1024xf32, #tpu.memory_space<hbm>>
      %dma_start3A_463 = arith.constant 0 : i32
      %dma_start3A_464 = arith.constant 0 : i32
      %dma_start3A_465 = tpu.memref_slice %arg6[%dma_start3A_454, %dma_start3A_463, %dma_start3A_464] : memref<3x32x1024xf32, #tpu.memory_space<vmem>> -> memref<1x32x1024xf32, #tpu.memory_space<vmem>>
      %dma_start3A_466 = tpu.memref_squeeze %dma_start3A_465 : memref<1x32x1024xf32, #tpu.memory_space<vmem>> -> memref<32x1024xf32, #tpu.memory_space<vmem>>
      tpu.enqueue_dma source(%dma_start3A_466 : memref<32x1024xf32, #tpu.memory_space<vmem>>) target(%dma_start3A_462 : memref<32x1024xf32, #tpu.memory_space<hbm>>) target_semaphore(%arg12 : memref<!tpu.dma_semaphore, #tpu.memory_space<semaphore_mem>>)
    }
    %scan3A_175 = arith.constant 9 : i32
    %dma_wait3A_176 = arith.constant 30 : i32
    %dma_wait3A_177 = arith.constant 0 : i32
    %dma_wait3A_178 = arith.constant 0 : i32
    %dma_wait3A_179 = arith.constant 0 : i32
    %dma_wait3A_180 = tpu.memref_slice %arg6[%dma_wait3A_177, %dma_wait3A_178, %dma_wait3A_179] : memref<3x32x1024xf32, #tpu.memory_space<vmem>> -> memref<1x32x1024xf32, #tpu.memory_space<vmem>>
    %dma_wait3A_181 = tpu.memref_squeeze %dma_wait3A_180 : memref<1x32x1024xf32, #tpu.memory_space<vmem>> -> memref<32x1024xf32, #tpu.memory_space<vmem>>
    %dma_wait3A_182 = arith.constant 0 : i32
    %dma_wait3A_183 = tpu.memref_slice %arg5[%dma_wait3A_176, %dma_wait3A_182] : memref<32x32xi32, #tpu.memory_space<vmem>> -> memref<1x32xi32, #tpu.memory_space<vmem>>
    %dma_wait3A_184 = tpu.memref_squeeze %dma_wait3A_183 : memref<1x32xi32, #tpu.memory_space<vmem>> -> memref<32xi32, #tpu.memory_space<vmem>>
    %dma_wait3A_185 = arith.constant 0 : i32
    %dma_wait3A_186 = arith.constant 0 : i32
    %dma_wait3A_187 = tpu.memref_slice %arg3[%dma_wait3A_185, %dma_wait3A_186] : memref<100000x1024xf32, #tpu.memory_space<hbm>> -> memref<100000x1024xf32, #tpu.memory_space<hbm>>
    tpu.wait_indirect_dma semaphore(%arg7 : memref<!tpu.dma_semaphore, #tpu.memory_space<semaphore_mem>>) src(%dma_wait3A_187 : memref<100000x1024xf32, #tpu.memory_space<hbm>>) dst(%dma_wait3A_181 : memref<32x1024xf32, #tpu.memory_space<vmem>>)
    %add3A_188 = arith.constant 960 : i32
    %add3A_189 = arith.addi %mul3A_2, %add3A_188 : i32
    %dma_start3A_190 = arith.constant 0 : i32
    %dma_start3A_191 = arith.constant 0 : i32
    %dma_start3A_192 = arith.constant 0 : i32
    %dma_start3A_193 = tpu.memref_slice %arg6[%dma_start3A_190, %dma_start3A_191, %dma_start3A_192] : memref<3x32x1024xf32, #tpu.memory_space<vmem>> -> memref<1x32x1024xf32, #tpu.memory_space<vmem>>
    %dma_start3A_194 = tpu.memref_squeeze %dma_start3A_193 : memref<1x32x1024xf32, #tpu.memory_space<vmem>> -> memref<32x1024xf32, #tpu.memory_space<vmem>>
    %dma_start3A_195 = arith.constant 0 : i32
    %dma_start3A_196 = tpu.memref_slice %arg4[%add3A_189, %dma_start3A_195] : memref<32768x1024xf32, #tpu.memory_space<hbm>> -> memref<32x1024xf32, #tpu.memory_space<hbm>>
    %dma_start3A_197 = arith.constant 0 : i32
    %dma_start3A_198 = tpu.memref_slice %arg4[%add3A_189, %dma_start3A_197] : memref<32768x1024xf32, #tpu.memory_space<hbm>> -> memref<32x1024xf32, #tpu.memory_space<hbm>>
    %dma_start3A_199 = arith.constant 0 : i32
    %dma_start3A_200 = arith.constant 0 : i32
    %dma_start3A_201 = tpu.memref_slice %arg6[%dma_start3A_190, %dma_start3A_199, %dma_start3A_200] : memref<3x32x1024xf32, #tpu.memory_space<vmem>> -> memref<1x32x1024xf32, #tpu.memory_space<vmem>>
    %dma_start3A_202 = tpu.memref_squeeze %dma_start3A_201 : memref<1x32x1024xf32, #tpu.memory_space<vmem>> -> memref<32x1024xf32, #tpu.memory_space<vmem>>
    tpu.enqueue_dma source(%dma_start3A_202 : memref<32x1024xf32, #tpu.memory_space<vmem>>) target(%dma_start3A_198 : memref<32x1024xf32, #tpu.memory_space<hbm>>) target_semaphore(%arg10 : memref<!tpu.dma_semaphore, #tpu.memory_space<semaphore_mem>>)
    %dma_wait3A_203 = arith.constant 31 : i32
    %dma_wait3A_204 = arith.constant 1 : i32
    %dma_wait3A_205 = arith.constant 0 : i32
    %dma_wait3A_206 = arith.constant 0 : i32
    %dma_wait3A_207 = tpu.memref_slice %arg6[%dma_wait3A_204, %dma_wait3A_205, %dma_wait3A_206] : memref<3x32x1024xf32, #tpu.memory_space<vmem>> -> memref<1x32x1024xf32, #tpu.memory_space<vmem>>
    %dma_wait3A_208 = tpu.memref_squeeze %dma_wait3A_207 : memref<1x32x1024xf32, #tpu.memory_space<vmem>> -> memref<32x1024xf32, #tpu.memory_space<vmem>>
    %dma_wait3A_209 = arith.constant 0 : i32
    %dma_wait3A_210 = tpu.memref_slice %arg5[%dma_wait3A_203, %dma_wait3A_209] : memref<32x32xi32, #tpu.memory_space<vmem>> -> memref<1x32xi32, #tpu.memory_space<vmem>>
    %dma_wait3A_211 = tpu.memref_squeeze %dma_wait3A_210 : memref<1x32xi32, #tpu.memory_space<vmem>> -> memref<32xi32, #tpu.memory_space<vmem>>
    %dma_wait3A_212 = arith.constant 0 : i32
    %dma_wait3A_213 = arith.constant 0 : i32
    %dma_wait3A_214 = tpu.memref_slice %arg3[%dma_wait3A_212, %dma_wait3A_213] : memref<100000x1024xf32, #tpu.memory_space<hbm>> -> memref<100000x1024xf32, #tpu.memory_space<hbm>>
    tpu.wait_indirect_dma semaphore(%arg8 : memref<!tpu.dma_semaphore, #tpu.memory_space<semaphore_mem>>) src(%dma_wait3A_214 : memref<100000x1024xf32, #tpu.memory_space<hbm>>) dst(%dma_wait3A_208 : memref<32x1024xf32, #tpu.memory_space<vmem>>)
    %add3A_215 = arith.constant 992 : i32
    %add3A_216 = arith.addi %mul3A_2, %add3A_215 : i32
    %dma_start3A_217 = arith.constant 1 : i32
    %dma_start3A_218 = arith.constant 0 : i32
    %dma_start3A_219 = arith.constant 0 : i32
    %dma_start3A_220 = tpu.memref_slice %arg6[%dma_start3A_217, %dma_start3A_218, %dma_start3A_219] : memref<3x32x1024xf32, #tpu.memory_space<vmem>> -> memref<1x32x1024xf32, #tpu.memory_space<vmem>>
    %dma_start3A_221 = tpu.memref_squeeze %dma_start3A_220 : memref<1x32x1024xf32, #tpu.memory_space<vmem>> -> memref<32x1024xf32, #tpu.memory_space<vmem>>
    %dma_start3A_222 = arith.constant 0 : i32
    %dma_start3A_223 = tpu.memref_slice %arg4[%add3A_216, %dma_start3A_222] : memref<32768x1024xf32, #tpu.memory_space<hbm>> -> memref<32x1024xf32, #tpu.memory_space<hbm>>
    %dma_start3A_224 = arith.constant 0 : i32
    %dma_start3A_225 = tpu.memref_slice %arg4[%add3A_216, %dma_start3A_224] : memref<32768x1024xf32, #tpu.memory_space<hbm>> -> memref<32x1024xf32, #tpu.memory_space<hbm>>
    %dma_start3A_226 = arith.constant 0 : i32
    %dma_start3A_227 = arith.constant 0 : i32
    %dma_start3A_228 = tpu.memref_slice %arg6[%dma_start3A_217, %dma_start3A_226, %dma_start3A_227] : memref<3x32x1024xf32, #tpu.memory_space<vmem>> -> memref<1x32x1024xf32, #tpu.memory_space<vmem>>
    %dma_start3A_229 = tpu.memref_squeeze %dma_start3A_228 : memref<1x32x1024xf32, #tpu.memory_space<vmem>> -> memref<32x1024xf32, #tpu.memory_space<vmem>>
    tpu.enqueue_dma source(%dma_start3A_229 : memref<32x1024xf32, #tpu.memory_space<vmem>>) target(%dma_start3A_225 : memref<32x1024xf32, #tpu.memory_space<hbm>>) target_semaphore(%arg11 : memref<!tpu.dma_semaphore, #tpu.memory_space<semaphore_mem>>)
    %add3A_230 = arith.constant 928 : i32
    %add3A_231 = arith.addi %mul3A_2, %add3A_230 : i32
    %dma_wait3A_232 = arith.constant 2 : i32
    %dma_wait3A_233 = arith.constant 0 : i32
    %dma_wait3A_234 = arith.constant 0 : i32
    %dma_wait3A_235 = tpu.memref_slice %arg6[%dma_wait3A_232, %dma_wait3A_233, %dma_wait3A_234] : memref<3x32x1024xf32, #tpu.memory_space<vmem>> -> memref<1x32x1024xf32, #tpu.memory_space<vmem>>
    %dma_wait3A_236 = tpu.memref_squeeze %dma_wait3A_235 : memref<1x32x1024xf32, #tpu.memory_space<vmem>> -> memref<32x1024xf32, #tpu.memory_space<vmem>>
    %dma_wait3A_237 = arith.constant 0 : i32
    %dma_wait3A_238 = tpu.memref_slice %arg4[%add3A_231, %dma_wait3A_237] : memref<32768x1024xf32, #tpu.memory_space<hbm>> -> memref<32x1024xf32, #tpu.memory_space<hbm>>
    %dma_wait3A_239 = arith.constant 0 : i32
    %dma_wait3A_240 = tpu.memref_slice %arg4[%add3A_231, %dma_wait3A_239] : memref<32768x1024xf32, #tpu.memory_space<hbm>> -> memref<32x1024xf32, #tpu.memory_space<hbm>>
    %dma_wait3A_241 = arith.constant 0 : i32
    %dma_wait3A_242 = arith.constant 0 : i32
    %dma_wait3A_243 = tpu.memref_slice %arg6[%dma_wait3A_232, %dma_wait3A_241, %dma_wait3A_242] : memref<3x32x1024xf32, #tpu.memory_space<vmem>> -> memref<1x32x1024xf32, #tpu.memory_space<vmem>>
    %dma_wait3A_244 = tpu.memref_squeeze %dma_wait3A_243 : memref<1x32x1024xf32, #tpu.memory_space<vmem>> -> memref<32x1024xf32, #tpu.memory_space<vmem>>
    tpu.wait_dma2 semaphore(%arg12 : memref<!tpu.dma_semaphore, #tpu.memory_space<semaphore_mem>>) src(%dma_wait3A_244 : memref<32x1024xf32, #tpu.memory_space<vmem>>) dst(%dma_wait3A_240 : memref<32x1024xf32, #tpu.memory_space<hbm>>)
    %add3A_245 = arith.constant 960 : i32
    %add3A_246 = arith.addi %mul3A_2, %add3A_245 : i32
    %dma_wait3A_247 = arith.constant 0 : i32
    %dma_wait3A_248 = arith.constant 0 : i32
    %dma_wait3A_249 = arith.constant 0 : i32
    %dma_wait3A_250 = tpu.memref_slice %arg6[%dma_wait3A_247, %dma_wait3A_248, %dma_wait3A_249] : memref<3x32x1024xf32, #tpu.memory_space<vmem>> -> memref<1x32x1024xf32, #tpu.memory_space<vmem>>
    %dma_wait3A_251 = tpu.memref_squeeze %dma_wait3A_250 : memref<1x32x1024xf32, #tpu.memory_space<vmem>> -> memref<32x1024xf32, #tpu.memory_space<vmem>>
    %dma_wait3A_252 = arith.constant 0 : i32
    %dma_wait3A_253 = tpu.memref_slice %arg4[%add3A_246, %dma_wait3A_252] : memref<32768x1024xf32, #tpu.memory_space<hbm>> -> memref<32x1024xf32, #tpu.memory_space<hbm>>
    %dma_wait3A_254 = arith.constant 0 : i32
    %dma_wait3A_255 = tpu.memref_slice %arg4[%add3A_246, %dma_wait3A_254] : memref<32768x1024xf32, #tpu.memory_space<hbm>> -> memref<32x1024xf32, #tpu.memory_space<hbm>>
    %dma_wait3A_256 = arith.constant 0 : i32
    %dma_wait3A_257 = arith.constant 0 : i32
    %dma_wait3A_258 = tpu.memref_slice %arg6[%dma_wait3A_247, %dma_wait3A_256, %dma_wait3A_257] : memref<3x32x1024xf32, #tpu.memory_space<vmem>> -> memref<1x32x1024xf32, #tpu.memory_space<vmem>>
    %dma_wait3A_259 = tpu.memref_squeeze %dma_wait3A_258 : memref<1x32x1024xf32, #tpu.memory_space<vmem>> -> memref<32x1024xf32, #tpu.memory_space<vmem>>
    tpu.wait_dma2 semaphore(%arg10 : memref<!tpu.dma_semaphore, #tpu.memory_space<semaphore_mem>>) src(%dma_wait3A_259 : memref<32x1024xf32, #tpu.memory_space<vmem>>) dst(%dma_wait3A_255 : memref<32x1024xf32, #tpu.memory_space<hbm>>)
    %add3A_260 = arith.constant 992 : i32
    %add3A_261 = arith.addi %mul3A_2, %add3A_260 : i32
    %dma_wait3A_262 = arith.constant 1 : i32
    %dma_wait3A_263 = arith.constant 0 : i32
    %dma_wait3A_264 = arith.constant 0 : i32
    %dma_wait3A_265 = tpu.memref_slice %arg6[%dma_wait3A_262, %dma_wait3A_263, %dma_wait3A_264] : memref<3x32x1024xf32, #tpu.memory_space<vmem>> -> memref<1x32x1024xf32, #tpu.memory_space<vmem>>
    %dma_wait3A_266 = tpu.memref_squeeze %dma_wait3A_265 : memref<1x32x1024xf32, #tpu.memory_space<vmem>> -> memref<32x1024xf32, #tpu.memory_space<vmem>>
    %dma_wait3A_267 = arith.constant 0 : i32
    %dma_wait3A_268 = tpu.memref_slice %arg4[%add3A_261, %dma_wait3A_267] : memref<32768x1024xf32, #tpu.memory_space<hbm>> -> memref<32x1024xf32, #tpu.memory_space<hbm>>
    %dma_wait3A_269 = arith.constant 0 : i32
    %dma_wait3A_270 = tpu.memref_slice %arg4[%add3A_261, %dma_wait3A_269] : memref<32768x1024xf32, #tpu.memory_space<hbm>> -> memref<32x1024xf32, #tpu.memory_space<hbm>>
    %dma_wait3A_271 = arith.constant 0 : i32
    %dma_wait3A_272 = arith.constant 0 : i32
    %dma_wait3A_273 = tpu.memref_slice %arg6[%dma_wait3A_262, %dma_wait3A_271, %dma_wait3A_272] : memref<3x32x1024xf32, #tpu.memory_space<vmem>> -> memref<1x32x1024xf32, #tpu.memory_space<vmem>>
    %dma_wait3A_274 = tpu.memref_squeeze %dma_wait3A_273 : memref<1x32x1024xf32, #tpu.memory_space<vmem>> -> memref<32x1024xf32, #tpu.memory_space<vmem>>
    tpu.wait_dma2 semaphore(%arg11 : memref<!tpu.dma_semaphore, #tpu.memory_space<semaphore_mem>>) src(%dma_wait3A_274 : memref<32x1024xf32, #tpu.memory_space<vmem>>) dst(%dma_wait3A_270 : memref<32x1024xf32, #tpu.memory_space<hbm>>)
    return
  }
}

</mosaic_0001>

<sc_bundles>
// kernel: kernel.3.cloned.1.call-start
scs
__scs_entry_jumppad:
0x0: {  	(pc) =	sbr.rel $0x88, $3  }
0x1: {  	(tag) =	ssettag $0x0;
	lr =	simm.s32 $0x1  }
0x2: {  	[smem:$0x3F9F] =	sst lr;
	_ =	strace $0xD0000000  }
0x3: {  	_ = 	snop  }
0x4: {  	_ = 	snop  }
0x5: {  	_ = 	snop  }
0x6: {  	_ = 	snop  }
0x7: {  	_ = 	snop  }
__scs_overlays_trampoline_lowered:
0x8: {  	[smem:$0x3FAE] =	sst s0  }
0x9: {  	[smem:$0x3FAF] =	sst s1  }
0xa: {  	[smem:$0x3FB0] =	sst s2  }
0xb: {  	[smem:$0x3FB1] =	sst s3  }
0xc: {  	[smem:$0x3FB2] =	sst s4  }
0xd: {  	[smem:$0x3FB3] =	sst s5  }
0xe: {  	[smem:$0x3FB4] =	sst s6  }
0xf: {  	[smem:$0x3FB5] =	sst s7  }
0x10: {  	[smem:$0x3FB6] =	sst s8  }
0x11: {  	[smem:$0x3FB7] =	sst s9;
	s0 =	simm.s32 @!p0 $0x0  }
0x12: {  	s1 =	sld [smem:$0x3F9D];
	s0 =	simm.s32 @p0 $0x1  }
0x13: {  	[smem:$0x3FB8] =	sst s0;
	s0 =	simm.s32 @!p1 $0x0  }
0x14: {  	s2 =	sld [smem:$0x3F9C];
	s0 =	simm.s32 @p1 $0x1  }
0x15: {  	[smem:$0x3FB9] =	sst s0;
	s0 =	simm.s32 @!p2 $0x0  }
0x16: {  	s3 =	sld [smem:$0x3FDB];
	s0 =	simm.s32 @p2 $0x1  }
0x17: {  	s4 =	simm.s32 $0x1BF5;
	[smem:$0x3FBB] =	sst s0  }
0x18: {  	s0 =	sld [smem:$0x3F9E];
	_ =	swait.ge [sflag:s4], $0x0  }
0x19: {  	s7 =	sld [smem:$0x3F9F]  }
0x1a: {  	s8 =	sadd.s32 $0xFFFFE003, lr  }
0x1b: {  	s9 =	sadd.s32 $0xFFFFFEF7, lr;
	s5 =	simm.s32 $0xFFFFFFFF;
	p2 =	slt.u32 s8, $0xFFFFF086  }
0x1c: {  	p1 =	slt.u32 s9, $0xF7A;
	s5 =	simm.s32 @!p2 $0x0  }
0x1d: {  	s5 =	simm.s32 @p1 $0x1;
	p0 =	seq.s32 s7, s2  }
0x1e: {  	s7 =	smul.u32 @!p0 $0xF7A, s2;
	p2 =	seq.s32 @!p0 s5, $0x0  }
0x1f: {  	s9 =	smul.u32 $0xF7A, s1;
	s8 =	simm.s32 @!p0 $0x1BF5;
	p2 =	por !p2, p0  }
0x20: {  	[sflag:s8] =	ssyncset.s32 @!p0 $0xFFFFF086;
	s6 =	sadd.s32 @!p0 s3, s7;
	s7 =	simm.s32 @!p0 $0x108  }
0x21: {  	s3 =	sadd.s32 s3, s9;
	s6 =	sadd.s32 @!p0 $0x88, s6;
	s7 =	simm.s32 @p2 $0x1082  }
0x22: {  	[simem:s7], [sflag:s8] =	dma.local @!p0 [hbm:s6], $0xF7A  }
0x23: {  	s9 =	sor.u32 $0xD0000000, s2;
	s6 =	simm.s32 $0x108;
	_ =	swait.ge @!p0 [sflag:s8], $0x0  }
0x24: {  	s3 =	sadd.s32 $0x88, s3;
	s6 =	simm.s32 @!p1 $0x1082;
	[sflag:s4] =	ssyncset.s32 $0xFFFFF086  }
0x25: {  	[simem:s6], [sflag:s4] =	dma.local [hbm:s3], $0xF7A  }
0x26: {  	[smem:$0x3F9F] =	sst s1;
	(tag) =	ssettag s2;
	_ =	strace s9  }
0x27: {  	s1 =	sld [smem:$0x3FAF]  }
0x28: {  	s2 =	sld [smem:$0x3FB0]  }
0x29: {  	s4 =	sld [smem:$0x3FB2]  }
0x2a: {  	p0 =	seq.s32 s5, $0x0;
	s5 =	sld [smem:$0x3FB3]  }
0x2b: {  	s6 =	sld [smem:$0x3FB4]  }
0x2c: {  	s7 =	sld [smem:$0x3FB5]  }
0x2d: {  	s3 =	simm.s32 $0x108;
	s8 =	sld [smem:$0x3FB6]  }
0x2e: {  	s3 =	simm.s32 @!p0 $0x1082;
	s9 =	sld [smem:$0x3FB7]  }
0x2f: {  	lr =	sadd.s32 s0, s3;
	s0 =	sld [smem:$0x3FAE]  }
0x30: {  	s3 =	sld [smem:$0x3FB1]  }
0x31: {  	[smem:$0x3FBA] =	sst s10  }
0x32: {  	s10 =	sld [smem:$0x3FB8];
	_ =	sdelay $0x3  }
0x33: {  	p0 =	seq.s32 s10, $0x1;
	s10 =	sld [smem:$0x3FBA];
	_ =	sdelay $0x3  }
0x34: {  	[smem:$0x3FBA] =	sst s10  }
0x35: {  	s10 =	sld [smem:$0x3FB9];
	_ =	sdelay $0x3  }
0x36: {  	p1 =	seq.s32 s10, $0x1;
	s10 =	sld [smem:$0x3FBA];
	_ =	sdelay $0x3  }
0x37: {  	[smem:$0x3FBA] =	sst s10  }
0x38: {  	s10 =	sld [smem:$0x3FBB]  }
0x39: {  	_ = 	snop;
	(pc) =	sbr.ind lr, $3  }
0x3a: {  	_ = 	snop  }
0x3b: {  	_ = 	snop  }
0x3c: {  	p2 =	seq.s32 s10, $0x1;
	s10 =	sld [smem:$0x3FBA]  }
0x3d: {  	_ =	shalt  }
0x3e: {  	_ =	shalt  }
0x3f: {  	_ =	shalt  }
0x40: {  	_ =	shalt  }
0x41: {  	_ =	shalt  }
0x42: {  	_ =	shalt  }
0x43: {  	_ =	shalt  }
0x44: {  	_ =	shalt  }
0x45: {  	_ =	shalt  }
0x46: {  	_ =	shalt  }
0x47: {  	_ =	shalt  }
0x48: {  	_ =	shalt  }
0x49: {  	_ =	shalt  }
0x4a: {  	_ =	shalt  }
0x4b: {  	_ =	shalt  }
0x4c: {  	_ =	shalt  }
0x4d: {  	_ =	shalt  }
0x4e: {  	_ =	shalt  }
0x4f: {  	_ =	shalt  }
0x50: {  	_ =	shalt  }
0x51: {  	_ =	shalt  }
0x52: {  	_ =	shalt  }
0x53: {  	_ =	shalt  }
0x54: {  	_ =	shalt  }
0x55: {  	_ =	shalt  }
0x56: {  	_ =	shalt  }
0x57: {  	_ =	shalt  }
0x58: {  	_ =	shalt  }
0x59: {  	_ =	shalt  }
0x5a: {  	_ =	shalt  }
0x5b: {  	_ =	shalt  }
0x5c: {  	_ =	shalt  }
0x5d: {  	_ =	shalt  }
0x5e: {  	_ =	shalt  }
0x5f: {  	_ =	shalt  }
0x60: {  	_ =	shalt  }
0x61: {  	_ =	shalt  }
0x62: {  	_ =	shalt  }
0x63: {  	_ =	shalt  }
0x64: {  	_ =	shalt  }
0x65: {  	_ =	shalt  }
0x66: {  	_ =	shalt  }
0x67: {  	_ =	shalt  }
0x68: {  	_ =	shalt  }
0x69: {  	_ =	shalt  }
0x6a: {  	_ =	shalt  }
0x6b: {  	_ =	shalt  }
0x6c: {  	_ =	shalt  }
0x6d: {  	_ =	shalt  }
0x6e: {  	_ =	shalt  }
0x6f: {  	_ =	shalt  }
0x70: {  	_ =	shalt  }
0x71: {  	_ =	shalt  }
0x72: {  	_ =	shalt  }
0x73: {  	_ =	shalt  }
0x74: {  	_ =	shalt  }
0x75: {  	_ =	shalt  }
0x76: {  	_ =	shalt  }
0x77: {  	_ =	shalt  }
0x78: {  	_ =	shalt  }
0x79: {  	_ =	shalt  }
0x7a: {  	_ =	shalt  }
0x7b: {  	_ =	shalt  }
0x7c: {  	_ =	shalt  }
0x7d: {  	_ =	shalt  }
0x7e: {  	_ =	shalt  }
0x7f: {  	_ =	shalt  }
0x80: {  	_ =	shalt  }
0x81: {  	_ =	shalt  }
0x82: {  	_ =	shalt  }
0x83: {  	_ =	shalt  }
0x84: {  	_ =	shalt  }
0x85: {  	_ =	shalt  }
0x86: {  	_ =	shalt  }
0x87: {  	_ =	shalt  }
.Lfunc_end0:
.L_simem_size_0:
called_computation_lowered:
.L_overlay_start_0:
0x88: {  	s2 =	sld [smem:$0x3FD9]  }
0x89: {  	s3 =	sld [smem:$0x3FFE];
	_ =	sdelay $0x1  }
0x8a: {  	s1 =	srdreg.scid  }
0x8b: {  	s0 =	sand.u32 $0x1, s1  }
0x8c: {  	s17 =	sshll.u32 s0, $0xA;
	s2 =	sadd.s32 s3, s2  }
0x8d: {  	s2 =	sadd.s32 s2, s17  }
0x8e: {  	[smem:$0x3FC6] =	sst s2  }
0x8f: {  	_ = 	snop  }
0x90: {  	s2 =	sld [smem:$0x3FC8]  }
0x91: {  	s18 =	sld [smem:$0x3FD0];
	(tm) =	ssettm $0x1  }
0x92: {  	s4 =	sld [smem:$0x3FFB];
	_ =	sdelay $0x3  }
0x93: {  	_ =	strace s4  }
0x94: {  	s4 =	sld [smem:$0x3FFC];
	_ =	sdelay $0x3  }
0x95: {  	_ =	strace s4  }
0x96: {  	s4 =	sld [smem:$0x3FFD];
	_ =	sdelay $0x3  }
0x97: {  	_ =	strace s4  }
0x98: {  	_ =	strace $0x8FFFFFFF  }
0x99: {  	s19 =	sld [smem:$0x3FDB];
	_ =	sdelay $0x1  }
0x9a: {  	s5 =	simm.s32 $_scs_section_size  }
0x9b: {  	s6 =	simm.s32 $_size__tile_overlayer_lowered;
	s7 =	simm.s32 $_tile_overlayer_lowered  }
0x9c: {  	s22 =	simm.s32 $0x1BFF;
	s21 =	sshll.u32 s7, $0x1;
	s4 =	sadd.s32 s5, s19  }
0x9d: {  	s8 =	simm.s32 $0x0;
	s20 =	sshll.u32 s6, $0x1;
	s6 =	sadd.s32 s21, s4  }
0x9e: {  	[timem:s8], [sflag:s22] =	dma.local [hbm:s6], s20  }
0x9f: {  	_ =	swait.ge [sflag:s22], s20  }
0xa0: {  	s5 =	ssub.s32 $0x0, s20;
	[sflag:s22] =	ssyncset.done $0x0  }
0xa1: {  	[sflag:s22] =	ssyncadd.s32 s5;
	_ =	sdelay $0x1  }
0xa2: {  	s23 =	simm.s32 $0x1B8B  }
0xa3: {  	_ =	swait.ge [sflag:s23], $0x1  }
0xa4: {  	[sflag:s23] =	ssyncset.done $0x0  }
0xa5: {  	s25 =	simm.s32 $0x1B8E;
	s24 =	sld [smem:$0x3FFE];
	[sflag:s23] =	ssyncadd.s32 $0xFFFFFFFF  }
0xa6: {  	s26 =	simm.s32 $execute0_lowered;
	[smem:$0x3FD2] =	sst s25  }
0xa7: {  	s6 =	sshll.u32 s26, $0x1;
	_ =	strace $0x80000046;
	[dreg:$0x1] =	wrdreg $0xFFFFFFFF  }
0xa8: {  	s28 =	simm.s32 $_size_execute0_lowered;
	s4 =	sadd.s32 s4, s6;
	[dreg:$0x0] =	wrdreg $0x0  }
0xa9: {  	s6 =	sshll.u32 s28, $0x1;
	[dreg:$0x2] =	wrdreg s4  }
0xaa: {  	[dreg:$0x3] =	wrdreg s6  }
0xab: {  	[dreg:$0x4] =	wrdreg $0xC0  }
0xac: {  	_ =	task [dreg:s8], $0x5FFFF  }
0xad: {  	[dreg:$0x1] =	wrdreg $0xFFFFFFFF  }
0xae: {  	[dreg:$0x0] =	wrdreg $0x60  }
0xaf: {  	[dreg:$0x2] =	wrdreg s24  }
0xb0: {  	[dreg:$0x3] =	wrdreg s2  }
0xb1: {  	[dreg:$0x4] =	wrdreg s18  }
0xb2: {  	[dreg:$0x5] =	wrdreg $0x9  }
0xb3: {  	_ =	task.clear_ibuf [dreg:s8], $0x6FFFF;
	_ =	strace $0x90000046  }
0xb4: {  	s29 =	simm.s32 $0x9;
	_ =	strace $0x80000048  }
0xb5: {  	_ =	swait.ge [sflag:s29], $0x1  }
0xb6: {  	[sflag:s29] =	ssyncadd.s32 $0xFFFFFFFF  }
0xb7: {  	_ =	strace $0x90000048  }
0xb8: {  	_ =	sfence  }
0xb9: {  	s30 =	sld [smem:$0x0];
	_ =	sdelay $0x2  }
0xba: {  	s31 =	sshll.u32 s1, $0xD;
	s1 =	sshrl.u32 s1, $0x2  }
0xbb: {  	s3 =	sand.u32 $0x4000, s31;
	s1 =	sadd.s32 s1, s30  }
0xbc: {  	s0 =	sor.u32 s3, s0;
	s1 =	sshll.u32 s1, $0x11  }
0xbd: {  	s0 =	sor.u32 s1, s0  }
0xbe: {  	s0 =	sadd.s32 $0x8F2B, s0  }
0xbf: {  	[sflag:s0] =	ssyncadd.remote.s32 $0x1  }
0xc0: {  	_ =	sfence.sel $0xFFFF  }
0xc1: {  	[dreg:$0x0] =	wrdreg $0xFFFFFFFF;
	(pc) =	sbr.abs _section_cstart, $3  }
0xc2: {  	[dreg:$0x1] =	wrdreg $0xFFFFFFFF  }
0xc3: {  	_ =	task.clear_ibuf [dreg:s8], $0x2FFFF;
	_ =	strace $0x9FFFFFFF  }
0xc4: {  	(tm) =	ssettm $0x7FFFFFFF  }
0xc5: {  	_ =	shalt  }
tec
execute0_lowered:
.L_overlay_start_1:
0x0: {  	(tag) =	ssettag $0x1  }
0x1: {  	s0 =	rddreg [dreg:$0x0]  }
0x2: {  	s2 =	rddreg [dreg:$0x1]  }
0x3: {  	s1 =	rddreg [dreg:$0x2]  }
0x4: {  	s3 =	srdreg.scid;
	s9 =	stileid.u32;
	s16 =	simm.s32 $0x1800  }
0x5: {  	s17 =	simm.s32 $0x2000;
	s29 =	simm.s32 $0x2800;
	s18 =	simm.s32 $0x3000  }
0x6: {  	s11 =	simm.s32 $0x7800;
	s30 =	simm.s32 $0x9800;
	s31 =	simm.s32 $0xA000  }
0x7: {  	s12 =	simm.s32 $0x1;
	s13 =	simm.s32 $0x2;
	s28 =	simm.s32 $0x6  }
0x8: {  	s4 =	sand.u32 $0x1, s3;
	s5 =	sshll.u32 s9, $0x1;
	s3 =	simm.s32 $0x0  }
0x9: {  	s22 =	sshll.u32 s9, $0x12;
	s9 =	simm.s32 $0x6000;
	s6 =	sor.u32 s4, s5  }
0xa: {  	s19 =	ssub.s32 $0x2, s4;
	[smem:$0x7FF] =	sst s3;
	s5 =	sadd.s32 $0x100, s2  }
0xb: {  	s24 =	sshll.u32 s4, $0x11;
	s4 =	simm.s32 $0x5000;
	s7 =	sshll.u32 s6, $0x9  }
0xc: {  	s8 =	sshrl.u32 s19, $0x1;
	_ =	strace $0x80000047;
	s20 =	sshll.u32 s6, $0x11  }
0xd: {  	s6 =	sadd.s32 $0x200, s2;
	s0 =	sadd.s32 s7, s0;
	s10 =	sadd.s32 s1, s20  }
0xe: {  	s8 =	ssub.s32 s19, s8;
	s0 =	sadd.s32 $0x400, s0;
	[dreg:$0x6] =	wrdreg s10  }
0xf: {  	s7 =	sadd.s32 $0x300, s2;
	s21 =	sadd.s32 $0x2000, s10;
	[dreg:$0x5] =	wrdreg s0  }
0x10: {  	s19 =	simm.s32 $0x3800;
	s23 =	sadd.s32 $0x1E000, s10;
	[dreg:$0x8] =	wrdreg s21  }
0x11: {  	s20 =	simm.s32 $0x4800;
	s25 =	sadd.s32 $0x1F000, s10;
	[dreg:$0x9] =	wrdreg s23  }
0x12: {  	s26 =	smax.u32 s8, $0x1;
	s8 =	simm.s32 $0x3;
	[dreg:$0xa] =	wrdreg s25  }
0x13: {  	s0 =	sadd.s32 $0x1000, s10;
	[dreg:$0xb] =	wrdreg s26;
	s21 =	simm.s32 $0x5800  }
0x14: {  	s10 =	simm.s32 $0x6800;
	s23 =	simm.s32 $0x7000;
	s25 =	simm.s32 $0x4  }
0x15: {  	v2 =	vlaneseq.u32;
	s26 =	simm.s32 $0x5;
	[dreg:$0x7] =	wrdreg s0;
	s0 =	sadd.s32 s22, s1  }
0x16: {  	vm0 =	vmmov $0xffff;
	v1 =	vshrl.u32 v2, $0x3;
	s1 =	simm.s32 $0x4000;
	s22 =	simm.s32 $0x8800;
	s0 =	sadd.s32 s24, s0  }
0x17: {  	v0 =	vand.u32 $0x7, v2;
	v2 =	vor.u32 $0x8, v2;
	v1 =	vmul.u32 $0x8, v1;
	s24 =	simm.s32 $0x8000;
	[dreg:$0x4] =	wrdreg s0;
	s0 =	simm.s32 $0x0  }
.LBB2_1:
0x18: {  	[dreg:$0xc] =	wrdreg s0  }
0x19: {  	s14 =	rddreg [dreg:$0x5];
	s0 =	simm.s32 $0x7  }
0x1a: {  	[tilespmem:s3], [sflag:$0x7] =	stream.linear.gather [hbm4b:s14+s3], $0x1000, $0x38;
	[tilespmem:$0x19000] =	vst v63  }
0x1b: {  	_ =	swait.ge [sflag:s0], $0x1000  }
0x1c: {  	[sflag:s0] =	ssyncset.done $0x0  }
0x1d: {  	[sflag:s0] =	ssyncadd.s32 $0xFFFFF000  }
0x1e: {  	v3 =	vld [tilespmem:$0x0];
	_ =	sdelay $0x4  }
0x1f: {  	v4 =	vshll.u32 v3, $0x3  }
0x20: {  	v3 =	vand.u32 $0x7, v3;
	v4 =	vand.u32 $0xFFFFFFC0, v4  }
0x21: {  	v3 =	vor.u32 v3, v4  }
0x22: {  	v4 =	vperm.xlane v3, v0;
	_ =	sdelay $0x1  }
0x23: {  	v4 =	vadd.s32 v1, v4;
	_ =	sdelay $0x3  }
0x24: {  	s15 =	simm.s32 $0x1000  }
0x25: {  	[tilespmem:s15], [sflag:$0x1] =	stream.indirect_vreg.gather [hbm4b:s2+s3], $0x80, v4, vm0, $0xb8;
	[tilespmem:$0x19000] =	vst v63  }
0x26: {  	v3 =	vperm.xlane v3, v2  }
0x27: {  	[tilespmem:s16], [sflag:$0x1] =	stream.indirect_vreg.gather [hbm4b:s5+s3], $0x80, v4, vm0, $0xb8;
	[tilespmem:$0x19000] =	vst v63  }
0x28: {  	v3 =	vadd.s32 v1, v3  }
0x29: {  	[tilespmem:s17], [sflag:$0x1] =	stream.indirect_vreg.gather [hbm4b:s6+s3], $0x80, v4, vm0, $0xb8;
	[tilespmem:$0x19000] =	vst v63  }
0x2a: {  	_ = 	snop  }
0x2b: {  	[tilespmem:s29], [sflag:$0x1] =	stream.indirect_vreg.gather [hbm4b:s7+s3], $0x80, v4, vm0, $0xb8;
	[tilespmem:$0x19000] =	vst v63  }
0x2c: {  	_ = 	snop  }
0x2d: {  	[tilespmem:s18], [sflag:$0x1] =	stream.indirect_vreg.gather [hbm4b:s2+s3], $0x80, v3, vm0, $0xb8;
	[tilespmem:$0x19000] =	vst v63  }
0x2e: {  	_ = 	snop  }
0x2f: {  	[tilespmem:s19], [sflag:$0x1] =	stream.indirect_vreg.gather [hbm4b:s5+s3], $0x80, v3, vm0, $0xb8;
	[tilespmem:$0x19000] =	vst v63  }
0x30: {  	_ = 	snop  }
0x31: {  	[tilespmem:s1], [sflag:$0x1] =	stream.indirect_vreg.gather [hbm4b:s6+s3], $0x80, v3, vm0, $0xb8;
	[tilespmem:$0x19000] =	vst v63  }
0x32: {  	_ = 	snop  }
0x33: {  	[tilespmem:s20], [sflag:$0x1] =	stream.indirect_vreg.gather [hbm4b:s7+s3], $0x80, v3, vm0, $0xb8;
	[tilespmem:$0x19000] =	vst v63  }
0x34: {  	v3 =	vld [tilespmem:$0x10];
	_ =	sdelay $0x4  }
0x35: {  	v55 =	vshll.u32 v3, $0x3  }
0x36: {  	v3 =	vand.u32 $0x7, v3;
	v4 =	vand.u32 $0xFFFFFFC0, v55  }
0x37: {  	v3 =	vor.u32 v3, v4  }
0x38: {  	v4 =	vperm.xlane v3, v0;
	_ =	sdelay $0x1  }
0x39: {  	v4 =	vadd.s32 v1, v4;
	_ =	sdelay $0x4  }
0x3a: {  	[tilespmem:s4], [sflag:$0x1] =	stream.indirect_vreg.gather [hbm4b:s2+s3], $0x80, v4, vm0, $0xb8;
	[tilespmem:$0x19000] =	vst v63  }
0x3b: {  	v3 =	vperm.xlane v3, v2  }
0x3c: {  	[tilespmem:s21], [sflag:$0x1] =	stream.indirect_vreg.gather [hbm4b:s5+s3], $0x80, v4, vm0, $0xb8;
	[tilespmem:$0x19000] =	vst v63  }
0x3d: {  	v3 =	vadd.s32 v1, v3  }
0x3e: {  	[tilespmem:s9], [sflag:$0x1] =	stream.indirect_vreg.gather [hbm4b:s6+s3], $0x80, v4, vm0, $0xb8;
	[tilespmem:$0x19000] =	vst v63  }
0x3f: {  	_ = 	snop  }
0x40: {  	[tilespmem:s10], [sflag:$0x1] =	stream.indirect_vreg.gather [hbm4b:s7+s3], $0x80, v4, vm0, $0xb8;
	[tilespmem:$0x19000] =	vst v63  }
0x41: {  	_ = 	snop  }
0x42: {  	[tilespmem:s23], [sflag:$0x1] =	stream.indirect_vreg.gather [hbm4b:s2+s3], $0x80, v3, vm0, $0xb8;
	[tilespmem:$0x19000] =	vst v63  }
0x43: {  	_ = 	snop  }
0x44: {  	[tilespmem:s11], [sflag:$0x1] =	stream.indirect_vreg.gather [hbm4b:s5+s3], $0x80, v3, vm0, $0xb8;
	[tilespmem:$0x19000] =	vst v63  }
0x45: {  	_ = 	snop  }
0x46: {  	[tilespmem:s24], [sflag:$0x1] =	stream.indirect_vreg.gather [hbm4b:s6+s3], $0x80, v3, vm0, $0xb8;
	[tilespmem:$0x19000] =	vst v63  }
0x47: {  	_ = 	snop  }
0x48: {  	[tilespmem:s22], [sflag:$0x1] =	stream.indirect_vreg.gather [hbm4b:s7+s3], $0x80, v3, vm0, $0xb8;
	[tilespmem:$0x19000] =	vst v63  }
0x49: {  	v3 =	vld [tilespmem:$0x80];
	_ =	sdelay $0x4  }
0x4a: {  	v56 =	vshll.u32 v3, $0x3  }
0x4b: {  	v3 =	vand.u32 $0x7, v3;
	v4 =	vand.u32 $0xFFFFFFC0, v56  }
0x4c: {  	v3 =	vor.u32 v3, v4  }
0x4d: {  	v4 =	vperm.xlane v3, v0;
	_ =	sdelay $0x1  }
0x4e: {  	v4 =	vadd.s32 v1, v4;
	_ =	sdelay $0x3  }
0x4f: {  	s0 =	simm.s32 $0x9000  }
0x50: {  	[tilespmem:s0], [sflag:$0x2] =	stream.indirect_vreg.gather [hbm4b:s2+s3], $0x80, v4, vm0, $0xb8;
	[tilespmem:$0x19000] =	vst v63  }
0x51: {  	v3 =	vperm.xlane v3, v2  }
0x52: {  	[tilespmem:s30], [sflag:$0x2] =	stream.indirect_vreg.gather [hbm4b:s5+s3], $0x80, v4, vm0, $0xb8;
	[tilespmem:$0x19000] =	vst v63  }
0x53: {  	v3 =	vadd.s32 v1, v3  }
0x54: {  	[tilespmem:s31], [sflag:$0x2] =	stream.indirect_vreg.gather [hbm4b:s6+s3], $0x80, v4, vm0, $0xb8;
	[tilespmem:$0x19000] =	vst v63  }
0x55: {  	s14 =	simm.s32 $0xA800  }
0x56: {  	[tilespmem:s14], [sflag:$0x2] =	stream.indirect_vreg.gather [hbm4b:s7+s3], $0x80, v4, vm0, $0xb8;
	[tilespmem:$0x19000] =	vst v63  }
0x57: {  	s14 =	simm.s32 $0xB000  }
0x58: {  	[tilespmem:s14], [sflag:$0x2] =	stream.indirect_vreg.gather [hbm4b:s2+s3], $0x80, v3, vm0, $0xb8;
	[tilespmem:$0x19000] =	vst v63  }
0x59: {  	s14 =	simm.s32 $0xB800  }
0x5a: {  	[tilespmem:s14], [sflag:$0x2] =	stream.indirect_vreg.gather [hbm4b:s5+s3], $0x80, v3, vm0, $0xb8;
	[tilespmem:$0x19000] =	vst v63  }
0x5b: {  	s14 =	simm.s32 $0xC000  }
0x5c: {  	[tilespmem:s14], [sflag:$0x2] =	stream.indirect_vreg.gather [hbm4b:s6+s3], $0x80, v3, vm0, $0xb8;
	[tilespmem:$0x19000] =	vst v63  }
0x5d: {  	s14 =	simm.s32 $0xC800  }
0x5e: {  	[tilespmem:s14], [sflag:$0x2] =	stream.indirect_vreg.gather [hbm4b:s7+s3], $0x80, v3, vm0, $0xb8;
	[tilespmem:$0x19000] =	vst v63  }
0x5f: {  	v3 =	vld [tilespmem:$0x90];
	_ =	sdelay $0x4  }
0x60: {  	v57 =	vshll.u32 v3, $0x3  }
0x61: {  	v3 =	vand.u32 $0x7, v3;
	v4 =	vand.u32 $0xFFFFFFC0, v57  }
0x62: {  	v3 =	vor.u32 v3, v4  }
0x63: {  	v4 =	vperm.xlane v3, v0;
	_ =	sdelay $0x1  }
0x64: {  	v4 =	vadd.s32 v1, v4;
	_ =	sdelay $0x3  }
0x65: {  	s14 =	simm.s32 $0xD000  }
0x66: {  	[tilespmem:s14], [sflag:$0x2] =	stream.indirect_vreg.gather [hbm4b:s2+s3], $0x80, v4, vm0, $0xb8;
	[tilespmem:$0x19000] =	vst v63  }
0x67: {  	v3 =	vperm.xlane v3, v2;
	s14 =	simm.s32 $0xD800  }
0x68: {  	[tilespmem:s14], [sflag:$0x2] =	stream.indirect_vreg.gather [hbm4b:s5+s3], $0x80, v4, vm0, $0xb8;
	[tilespmem:$0x19000] =	vst v63  }
0x69: {  	v3 =	vadd.s32 v1, v3;
	s14 =	simm.s32 $0xE000  }
0x6a: {  	[tilespmem:s14], [sflag:$0x2] =	stream.indirect_vreg.gather [hbm4b:s6+s3], $0x80, v4, vm0, $0xb8;
	[tilespmem:$0x19000] =	vst v63  }
0x6b: {  	s14 =	simm.s32 $0xE800  }
0x6c: {  	[tilespmem:s14], [sflag:$0x2] =	stream.indirect_vreg.gather [hbm4b:s7+s3], $0x80, v4, vm0, $0xb8;
	[tilespmem:$0x19000] =	vst v63  }
0x6d: {  	s14 =	simm.s32 $0xF000  }
0x6e: {  	[tilespmem:s14], [sflag:$0x2] =	stream.indirect_vreg.gather [hbm4b:s2+s3], $0x80, v3, vm0, $0xb8;
	[tilespmem:$0x19000] =	vst v63  }
0x6f: {  	s14 =	simm.s32 $0xF800  }
0x70: {  	[tilespmem:s14], [sflag:$0x2] =	stream.indirect_vreg.gather [hbm4b:s5+s3], $0x80, v3, vm0, $0xb8;
	[tilespmem:$0x19000] =	vst v63  }
0x71: {  	s14 =	simm.s32 $0x10000  }
0x72: {  	[tilespmem:s14], [sflag:$0x2] =	stream.indirect_vreg.gather [hbm4b:s6+s3], $0x80, v3, vm0, $0xb8;
	[tilespmem:$0x19000] =	vst v63  }
0x73: {  	s14 =	simm.s32 $0x10800  }
0x74: {  	[tilespmem:s14], [sflag:$0x2] =	stream.indirect_vreg.gather [hbm4b:s7+s3], $0x80, v3, vm0, $0xb8;
	[tilespmem:$0x19000] =	vst v63  }
0x75: {  	v3 =	vld [tilespmem:$0x100];
	_ =	sdelay $0x4  }
0x76: {  	v58 =	vshll.u32 v3, $0x3  }
0x77: {  	v3 =	vand.u32 $0x7, v3;
	v4 =	vand.u32 $0xFFFFFFC0, v58  }
0x78: {  	v3 =	vor.u32 v3, v4  }
0x79: {  	v4 =	vperm.xlane v3, v0;
	_ =	sdelay $0x1  }
0x7a: {  	v4 =	vadd.s32 v1, v4;
	_ =	sdelay $0x3  }
0x7b: {  	s14 =	simm.s32 $0x11000  }
0x7c: {  	[tilespmem:s14], [sflag:$0x3] =	stream.indirect_vreg.gather [hbm4b:s2+s3], $0x80, v4, vm0, $0xb8;
	[tilespmem:$0x19000] =	vst v63  }
0x7d: {  	v3 =	vperm.xlane v3, v2;
	s14 =	simm.s32 $0x11800  }
0x7e: {  	[tilespmem:s14], [sflag:$0x3] =	stream.indirect_vreg.gather [hbm4b:s5+s3], $0x80, v4, vm0, $0xb8;
	[tilespmem:$0x19000] =	vst v63  }
0x7f: {  	v3 =	vadd.s32 v1, v3;
	s14 =	simm.s32 $0x12000  }
0x80: {  	[tilespmem:s14], [sflag:$0x3] =	stream.indirect_vreg.gather [hbm4b:s6+s3], $0x80, v4, vm0, $0xb8;
	[tilespmem:$0x19000] =	vst v63  }
0x81: {  	s14 =	simm.s32 $0x12800  }
0x82: {  	[tilespmem:s14], [sflag:$0x3] =	stream.indirect_vreg.gather [hbm4b:s7+s3], $0x80, v4, vm0, $0xb8;
	[tilespmem:$0x19000] =	vst v63  }
0x83: {  	s14 =	simm.s32 $0x13000  }
0x84: {  	[tilespmem:s14], [sflag:$0x3] =	stream.indirect_vreg.gather [hbm4b:s2+s3], $0x80, v3, vm0, $0xb8;
	[tilespmem:$0x19000] =	vst v63  }
0x85: {  	s14 =	simm.s32 $0x13800  }
0x86: {  	[tilespmem:s14], [sflag:$0x3] =	stream.indirect_vreg.gather [hbm4b:s5+s3], $0x80, v3, vm0, $0xb8;
	[tilespmem:$0x19000] =	vst v63  }
0x87: {  	s14 =	simm.s32 $0x14000  }
0x88: {  	[tilespmem:s14], [sflag:$0x3] =	stream.indirect_vreg.gather [hbm4b:s6+s3], $0x80, v3, vm0, $0xb8;
	[tilespmem:$0x19000] =	vst v63  }
0x89: {  	s14 =	simm.s32 $0x14800  }
0x8a: {  	[tilespmem:s14], [sflag:$0x3] =	stream.indirect_vreg.gather [hbm4b:s7+s3], $0x80, v3, vm0, $0xb8;
	[tilespmem:$0x19000] =	vst v63  }
0x8b: {  	v3 =	vld [tilespmem:$0x110];
	_ =	sdelay $0x4  }
0x8c: {  	v59 =	vshll.u32 v3, $0x3  }
0x8d: {  	v3 =	vand.u32 $0x7, v3;
	v4 =	vand.u32 $0xFFFFFFC0, v59  }
0x8e: {  	v3 =	vor.u32 v3, v4  }
0x8f: {  	v4 =	vperm.xlane v3, v0;
	_ =	sdelay $0x1  }
0x90: {  	v4 =	vadd.s32 v1, v4;
	_ =	sdelay $0x3  }
0x91: {  	s14 =	simm.s32 $0x15000  }
0x92: {  	[tilespmem:s14], [sflag:$0x3] =	stream.indirect_vreg.gather [hbm4b:s2+s3], $0x80, v4, vm0, $0xb8;
	[tilespmem:$0x19000] =	vst v63  }
0x93: {  	v3 =	vperm.xlane v3, v2;
	s14 =	simm.s32 $0x15800  }
0x94: {  	[tilespmem:s14], [sflag:$0x3] =	stream.indirect_vreg.gather [hbm4b:s5+s3], $0x80, v4, vm0, $0xb8;
	[tilespmem:$0x19000] =	vst v63  }
0x95: {  	v3 =	vadd.s32 v1, v3;
	s14 =	simm.s32 $0x16000  }
0x96: {  	[tilespmem:s14], [sflag:$0x3] =	stream.indirect_vreg.gather [hbm4b:s6+s3], $0x80, v4, vm0, $0xb8;
	[tilespmem:$0x19000] =	vst v63  }
0x97: {  	s14 =	simm.s32 $0x16800  }
0x98: {  	[tilespmem:s14], [sflag:$0x3] =	stream.indirect_vreg.gather [hbm4b:s7+s3], $0x80, v4, vm0, $0xb8;
	[tilespmem:$0x19000] =	vst v63  }
0x99: {  	s14 =	simm.s32 $0x17000  }
0x9a: {  	[tilespmem:s14], [sflag:$0x3] =	stream.indirect_vreg.gather [hbm4b:s2+s3], $0x80, v3, vm0, $0xb8;
	[tilespmem:$0x19000] =	vst v63  }
0x9b: {  	s14 =	simm.s32 $0x17800  }
0x9c: {  	[tilespmem:s14], [sflag:$0x3] =	stream.indirect_vreg.gather [hbm4b:s5+s3], $0x80, v3, vm0, $0xb8;
	[tilespmem:$0x19000] =	vst v63  }
0x9d: {  	s14 =	simm.s32 $0x18000  }
0x9e: {  	[tilespmem:s14], [sflag:$0x3] =	stream.indirect_vreg.gather [hbm4b:s6+s3], $0x80, v3, vm0, $0xb8;
	[tilespmem:$0x19000] =	vst v63  }
0x9f: {  	s14 =	simm.s32 $0x18800  }
0xa0: {  	[tilespmem:s14], [sflag:$0x3] =	stream.indirect_vreg.gather [hbm4b:s7+s3], $0x80, v3, vm0, $0xb8;
	[tilespmem:$0x19000] =	vst v63  }
0xa1: {  	_ =	swait.ge [sflag:s12], $0x8000  }
0xa2: {  	[sflag:s12] =	ssyncset.done $0x0  }
0xa3: {  	s14 =	rddreg [dreg:$0x6];
	[sflag:s12] =	ssyncadd.s32 $0xFFFF8000  }
0xa4: {  	[hbm4b:s14+s3] =	stream.linear.scatter [tilespmem:s15], [sflag:$0x4], $0x8000, $0x38;
	[tilespmem:$0x19000] =	vst v63  }
0xa5: {  	_ =	swait.ge [sflag:s25], $0x8000  }
0xa6: {  	[sflag:s25] =	ssyncset.done $0x0  }
0xa7: {  	[sflag:s25] =	ssyncadd.s32 $0xFFFF8000  }
0xa8: {  	v3 =	vld [tilespmem:$0x180];
	_ =	sdelay $0x4  }
0xa9: {  	v60 =	vshll.u32 v3, $0x3  }
0xaa: {  	v3 =	vand.u32 $0x7, v3;
	v4 =	vand.u32 $0xFFFFFFC0, v60  }
0xab: {  	v3 =	vor.u32 v3, v4  }
0xac: {  	v4 =	vperm.xlane v3, v0;
	_ =	sdelay $0x1  }
0xad: {  	v4 =	vadd.s32 v1, v4;
	_ =	sdelay $0x4  }
0xae: {  	[tilespmem:s15], [sflag:$0x1] =	stream.indirect_vreg.gather [hbm4b:s2+s3], $0x80, v4, vm0, $0xb8;
	[tilespmem:$0x19000] =	vst v63  }
0xaf: {  	v3 =	vperm.xlane v3, v2  }
0xb0: {  	[tilespmem:s16], [sflag:$0x1] =	stream.indirect_vreg.gather [hbm4b:s5+s3], $0x80, v4, vm0, $0xb8;
	[tilespmem:$0x19000] =	vst v63  }
0xb1: {  	v3 =	vadd.s32 v1, v3  }
0xb2: {  	[tilespmem:s17], [sflag:$0x1] =	stream.indirect_vreg.gather [hbm4b:s6+s3], $0x80, v4, vm0, $0xb8;
	[tilespmem:$0x19000] =	vst v63  }
0xb3: {  	_ = 	snop  }
0xb4: {  	[tilespmem:s29], [sflag:$0x1] =	stream.indirect_vreg.gather [hbm4b:s7+s3], $0x80, v4, vm0, $0xb8;
	[tilespmem:$0x19000] =	vst v63  }
0xb5: {  	_ = 	snop  }
0xb6: {  	[tilespmem:s18], [sflag:$0x1] =	stream.indirect_vreg.gather [hbm4b:s2+s3], $0x80, v3, vm0, $0xb8;
	[tilespmem:$0x19000] =	vst v63  }
0xb7: {  	_ = 	snop  }
0xb8: {  	[tilespmem:s19], [sflag:$0x1] =	stream.indirect_vreg.gather [hbm4b:s5+s3], $0x80, v3, vm0, $0xb8;
	[tilespmem:$0x19000] =	vst v63  }
0xb9: {  	_ = 	snop  }
0xba: {  	[tilespmem:s1], [sflag:$0x1] =	stream.indirect_vreg.gather [hbm4b:s6+s3], $0x80, v3, vm0, $0xb8;
	[tilespmem:$0x19000] =	vst v63  }
0xbb: {  	_ = 	snop  }
0xbc: {  	[tilespmem:s20], [sflag:$0x1] =	stream.indirect_vreg.gather [hbm4b:s7+s3], $0x80, v3, vm0, $0xb8;
	[tilespmem:$0x19000] =	vst v63  }
0xbd: {  	v3 =	vld [tilespmem:$0x190];
	_ =	sdelay $0x4  }
0xbe: {  	v61 =	vshll.u32 v3, $0x3  }
0xbf: {  	v3 =	vand.u32 $0x7, v3;
	v4 =	vand.u32 $0xFFFFFFC0, v61  }
0xc0: {  	v3 =	vor.u32 v3, v4  }
0xc1: {  	v4 =	vperm.xlane v3, v0;
	_ =	sdelay $0x1  }
0xc2: {  	v4 =	vadd.s32 v1, v4;
	_ =	sdelay $0x4  }
0xc3: {  	[tilespmem:s4], [sflag:$0x1] =	stream.indirect_vreg.gather [hbm4b:s2+s3], $0x80, v4, vm0, $0xb8;
	[tilespmem:$0x19000] =	vst v63  }
0xc4: {  	v3 =	vperm.xlane v3, v2  }
0xc5: {  	[tilespmem:s21], [sflag:$0x1] =	stream.indirect_vreg.gather [hbm4b:s5+s3], $0x80, v4, vm0, $0xb8;
	[tilespmem:$0x19000] =	vst v63  }
0xc6: {  	v3 =	vadd.s32 v1, v3  }
0xc7: {  	[tilespmem:s9], [sflag:$0x1] =	stream.indirect_vreg.gather [hbm4b:s6+s3], $0x80, v4, vm0, $0xb8;
	[tilespmem:$0x19000] =	vst v63  }
0xc8: {  	_ = 	snop  }
0xc9: {  	[tilespmem:s10], [sflag:$0x1] =	stream.indirect_vreg.gather [hbm4b:s7+s3], $0x80, v4, vm0, $0xb8;
	[tilespmem:$0x19000] =	vst v63  }
0xca: {  	_ = 	snop  }
0xcb: {  	[tilespmem:s23], [sflag:$0x1] =	stream.indirect_vreg.gather [hbm4b:s2+s3], $0x80, v3, vm0, $0xb8;
	[tilespmem:$0x19000] =	vst v63  }
0xcc: {  	_ = 	snop  }
0xcd: {  	[tilespmem:s11], [sflag:$0x1] =	stream.indirect_vreg.gather [hbm4b:s5+s3], $0x80, v3, vm0, $0xb8;
	[tilespmem:$0x19000] =	vst v63  }
0xce: {  	_ = 	snop  }
0xcf: {  	[tilespmem:s24], [sflag:$0x1] =	stream.indirect_vreg.gather [hbm4b:s6+s3], $0x80, v3, vm0, $0xb8;
	[tilespmem:$0x19000] =	vst v63  }
0xd0: {  	_ = 	snop  }
0xd1: {  	[tilespmem:s22], [sflag:$0x1] =	stream.indirect_vreg.gather [hbm4b:s7+s3], $0x80, v3, vm0, $0xb8;
	[tilespmem:$0x19000] =	vst v63  }
0xd2: {  	_ =	swait.ge [sflag:s13], $0x8000  }
0xd3: {  	[sflag:s13] =	ssyncset.done $0x0  }
0xd4: {  	s4 =	rddreg [dreg:$0x7];
	[sflag:s13] =	ssyncadd.s32 $0xFFFF8000  }
0xd5: {  	[hbm4b:s4+s3] =	stream.linear.scatter [tilespmem:s0], [sflag:$0x5], $0x8000, $0x38;
	[tilespmem:$0x19000] =	vst v63  }
0xd6: {  	_ =	swait.ge [sflag:s26], $0x8000  }
0xd7: {  	[sflag:s26] =	ssyncset.done $0x0  }
0xd8: {  	[sflag:s26] =	ssyncadd.s32 $0xFFFF8000  }
0xd9: {  	v3 =	vld [tilespmem:$0x200];
	_ =	sdelay $0x4  }
0xda: {  	v62 =	vshll.u32 v3, $0x3  }
0xdb: {  	v3 =	vand.u32 $0x7, v3;
	v4 =	vand.u32 $0xFFFFFFC0, v62  }
0xdc: {  	v3 =	vor.u32 v3, v4  }
0xdd: {  	v4 =	vperm.xlane v3, v0;
	_ =	sdelay $0x1  }
0xde: {  	v4 =	vadd.s32 v1, v4;
	_ =	sdelay $0x4  }
0xdf: {  	[tilespmem:s0], [sflag:$0x2] =	stream.indirect_vreg.gather [hbm4b:s2+s3], $0x80, v4, vm0, $0xb8;
	[tilespmem:$0x19000] =	vst v63  }
0xe0: {  	v3 =	vperm.xlane v3, v2  }
0xe1: {  	[tilespmem:s30], [sflag:$0x2] =	stream.indirect_vreg.gather [hbm4b:s5+s3], $0x80, v4, vm0, $0xb8;
	[tilespmem:$0x19000] =	vst v63  }
0xe2: {  	v3 =	vadd.s32 v1, v3  }
0xe3: {  	[tilespmem:s31], [sflag:$0x2] =	stream.indirect_vreg.gather [hbm4b:s6+s3], $0x80, v4, vm0, $0xb8;
	[tilespmem:$0x19000] =	vst v63  }
0xe4: {  	s9 =	simm.s32 $0xA800  }
0xe5: {  	[tilespmem:s9], [sflag:$0x2] =	stream.indirect_vreg.gather [hbm4b:s7+s3], $0x80, v4, vm0, $0xb8;
	[tilespmem:$0x19000] =	vst v63  }
0xe6: {  	s11 =	simm.s32 $0xB000  }
0xe7: {  	[tilespmem:s11], [sflag:$0x2] =	stream.indirect_vreg.gather [hbm4b:s2+s3], $0x80, v3, vm0, $0xb8;
	[tilespmem:$0x19000] =	vst v63  }
0xe8: {  	s14 =	simm.s32 $0xB800  }
0xe9: {  	[tilespmem:s14], [sflag:$0x2] =	stream.indirect_vreg.gather [hbm4b:s5+s3], $0x80, v3, vm0, $0xb8;
	[tilespmem:$0x19000] =	vst v63  }
0xea: {  	s15 =	simm.s32 $0xC000  }
0xeb: {  	[tilespmem:s15], [sflag:$0x2] =	stream.indirect_vreg.gather [hbm4b:s6+s3], $0x80, v3, vm0, $0xb8;
	[tilespmem:$0x19000] =	vst v63  }
0xec: {  	s16 =	simm.s32 $0xC800  }
0xed: {  	[tilespmem:s16], [sflag:$0x2] =	stream.indirect_vreg.gather [hbm4b:s7+s3], $0x80, v3, vm0, $0xb8;
	[tilespmem:$0x19000] =	vst v63  }
0xee: {  	v3 =	vld [tilespmem:$0x210];
	_ =	sdelay $0x4  }
0xef: {  	v63 =	vshll.u32 v3, $0x3  }
0xf0: {  	v3 =	vand.u32 $0x7, v3;
	v4 =	vand.u32 $0xFFFFFFC0, v63  }
0xf1: {  	v3 =	vor.u32 v3, v4  }
0xf2: {  	v4 =	vperm.xlane v3, v0;
	_ =	sdelay $0x1  }
0xf3: {  	v4 =	vadd.s32 v1, v4;
	_ =	sdelay $0x3  }
0xf4: {  	s17 =	simm.s32 $0xD000  }
0xf5: {  	[tilespmem:s17], [sflag:$0x2] =	stream.indirect_vreg.gather [hbm4b:s2+s3], $0x80, v4, vm0, $0xb8;
	[tilespmem:$0x19000] =	vst v63  }
0xf6: {  	s18 =	simm.s32 $0xD800;
	v3 =	vperm.xlane v3, v2  }
0xf7: {  	[tilespmem:s18], [sflag:$0x2] =	stream.indirect_vreg.gather [hbm4b:s5+s3], $0x80, v4, vm0, $0xb8;
	[tilespmem:$0x19000] =	vst v63  }
0xf8: {  	s19 =	simm.s32 $0xE000;
	v3 =	vadd.s32 v1, v3  }
0xf9: {  	[tilespmem:s19], [sflag:$0x2] =	stream.indirect_vreg.gather [hbm4b:s6+s3], $0x80, v4, vm0, $0xb8;
	[tilespmem:$0x19000] =	vst v63  }
0xfa: {  	s29 =	simm.s32 $0x0;
	s1 =	simm.s32 $0x3800;
	s20 =	simm.s32 $0xE800  }
0xfb: {  	[tilespmem:s20], [sflag:$0x2] =	stream.indirect_vreg.gather [hbm4b:s7+s3], $0x80, v4, vm0, $0xb8;
	[tilespmem:$0x19000] =	vst v63  }
0xfc: {  	s21 =	simm.s32 $0xF000;
	s10 =	simm.s32 $0x11000;
	s23 =	simm.s32 $0x10000  }
0xfd: {  	[tilespmem:s21], [sflag:$0x2] =	stream.indirect_vreg.gather [hbm4b:s2+s3], $0x80, v3, vm0, $0xb8;
	[tilespmem:$0x19000] =	vst v63  }
0xfe: {  	s24 =	simm.s32 $0x10800;
	s22 =	simm.s32 $0xF800;
	s4 =	simm.s32 $0x4800  }
0xff: {  	[tilespmem:s22], [sflag:$0x2] =	stream.indirect_vreg.gather [hbm4b:s5+s3], $0x80, v3, vm0, $0xb8;
	[tilespmem:$0x19000] =	vst v63  }
0x100: {  	s31 =	simm.s32 $0x2000;
	s9 =	simm.s32 $0x5800;
	s11 =	simm.s32 $0x8800  }
0x101: {  	[tilespmem:s23], [sflag:$0x2] =	stream.indirect_vreg.gather [hbm4b:s6+s3], $0x80, v3, vm0, $0xb8;
	[tilespmem:$0x19000] =	vst v63  }
0x102: {  	s14 =	simm.s32 $0x390;
	s15 =	simm.s32 $0xA000;
	s17 =	simm.s32 $0x1800  }
0x103: {  	[tilespmem:s24], [sflag:$0x2] =	stream.indirect_vreg.gather [hbm4b:s7+s3], $0x80, v3, vm0, $0xb8;
	[tilespmem:$0x19000] =	vst v63  }
0x104: {  	s18 =	simm.s32 $0x2800;
	s20 =	simm.s32 $0x4000;
	_ =	swait.ge [sflag:s8], $0x8000  }
0x105: {  	s21 =	simm.s32 $0x5000;
	s23 =	simm.s32 $0x6800;
	[sflag:s8] =	ssyncset.done $0x0  }
0x106: {  	s24 =	simm.s32 $0x7800;
	s30 =	rddreg [dreg:$0x8];
	[sflag:s8] =	ssyncadd.s32 $0xFFFF8000  }
0x107: {  	[hbm4b:s30+s3] =	stream.linear.scatter [tilespmem:s10], [sflag:$0x6], $0x8000, $0x38;
	[tilespmem:$0x19000] =	vst v63  }
.LBB2_2:
0x108: {  	_ =	swait.ge [sflag:s28], $0x8000  }
0x109: {  	[sflag:s28] =	ssyncset.done $0x0  }
0x10a: {  	[sflag:s28] =	ssyncadd.s32 $0xFFFF8000  }
0x10b: {  	v3 =	vld [tilespmem:s14+$0xFFFFFEF0];
	_ =	sdelay $0x4  }
0x10c: {  	v4 =	vshll.u32 v3, $0x3  }
0x10d: {  	v3 =	vand.u32 $0x7, v3;
	v4 =	vand.u32 $0xFFFFFFC0, v4  }
0x10e: {  	v3 =	vor.u32 v3, v4  }
0x10f: {  	v4 =	vperm.xlane v3, v0;
	_ =	sdelay $0x1  }
0x110: {  	v4 =	vadd.s32 v1, v4;
	_ =	sdelay $0x4  }
0x111: {  	[tilespmem:s10], [sflag:$0x3] =	stream.indirect_vreg.gather [hbm4b:s2+s3], $0x80, v4, vm0, $0xb8;
	[tilespmem:$0x19000] =	vst v63  }
0x112: {  	s0 =	simm.s32 $0x11800;
	v3 =	vperm.xlane v3, v2  }
0x113: {  	[tilespmem:s0], [sflag:$0x3] =	stream.indirect_vreg.gather [hbm4b:s5+s3], $0x80, v4, vm0, $0xb8;
	[tilespmem:$0x19000] =	vst v63  }
0x114: {  	v3 =	vadd.s32 v1, v3;
	s10 =	simm.s32 $0x12000  }
0x115: {  	[tilespmem:s10], [sflag:$0x3] =	stream.indirect_vreg.gather [hbm4b:s6+s3], $0x80, v4, vm0, $0xb8;
	[tilespmem:$0x19000] =	vst v63  }
0x116: {  	s16 =	simm.s32 $0x12800  }
0x117: {  	[tilespmem:s16], [sflag:$0x3] =	stream.indirect_vreg.gather [hbm4b:s7+s3], $0x80, v4, vm0, $0xb8;
	[tilespmem:$0x19000] =	vst v63  }
0x118: {  	s19 =	simm.s32 $0x13000  }
0x119: {  	[tilespmem:s19], [sflag:$0x3] =	stream.indirect_vreg.gather [hbm4b:s2+s3], $0x80, v3, vm0, $0xb8;
	[tilespmem:$0x19000] =	vst v63  }
0x11a: {  	s22 =	simm.s32 $0x13800  }
0x11b: {  	[tilespmem:s22], [sflag:$0x3] =	stream.indirect_vreg.gather [hbm4b:s5+s3], $0x80, v3, vm0, $0xb8;
	[tilespmem:$0x19000] =	vst v63  }
0x11c: {  	s10 =	simm.s32 $0x14000  }
0x11d: {  	[tilespmem:s10], [sflag:$0x3] =	stream.indirect_vreg.gather [hbm4b:s6+s3], $0x80, v3, vm0, $0xb8;
	[tilespmem:$0x19000] =	vst v63  }
0x11e: {  	s16 =	simm.s32 $0x14800  }
0x11f: {  	[tilespmem:s16], [sflag:$0x3] =	stream.indirect_vreg.gather [hbm4b:s7+s3], $0x80, v3, vm0, $0xb8;
	[tilespmem:$0x19000] =	vst v63  }
0x120: {  	v3 =	vld [tilespmem:s14+$0xFFFFFF00];
	_ =	sdelay $0x4  }
0x121: {  	v59 =	vshll.u32 v3, $0x3  }
0x122: {  	v3 =	vand.u32 $0x7, v3;
	v4 =	vand.u32 $0xFFFFFFC0, v59  }
0x123: {  	v3 =	vor.u32 v3, v4  }
0x124: {  	v4 =	vperm.xlane v3, v0;
	_ =	sdelay $0x1  }
0x125: {  	v4 =	vadd.s32 v1, v4;
	_ =	sdelay $0x3  }
0x126: {  	s19 =	simm.s32 $0x15000  }
0x127: {  	[tilespmem:s19], [sflag:$0x3] =	stream.indirect_vreg.gather [hbm4b:s2+s3], $0x80, v4, vm0, $0xb8;
	[tilespmem:$0x19000] =	vst v63  }
0x128: {  	s22 =	simm.s32 $0x15800;
	v3 =	vperm.xlane v3, v2  }
0x129: {  	[tilespmem:s22], [sflag:$0x3] =	stream.indirect_vreg.gather [hbm4b:s5+s3], $0x80, v4, vm0, $0xb8;
	[tilespmem:$0x19000] =	vst v63  }
0x12a: {  	s10 =	simm.s32 $0x16000;
	v3 =	vadd.s32 v1, v3  }
0x12b: {  	[tilespmem:s10], [sflag:$0x3] =	stream.indirect_vreg.gather [hbm4b:s6+s3], $0x80, v4, vm0, $0xb8;
	[tilespmem:$0x19000] =	vst v63  }
0x12c: {  	s16 =	simm.s32 $0x16800  }
0x12d: {  	[tilespmem:s16], [sflag:$0x3] =	stream.indirect_vreg.gather [hbm4b:s7+s3], $0x80, v4, vm0, $0xb8;
	[tilespmem:$0x19000] =	vst v63  }
0x12e: {  	s19 =	simm.s32 $0x17000  }
0x12f: {  	[tilespmem:s19], [sflag:$0x3] =	stream.indirect_vreg.gather [hbm4b:s2+s3], $0x80, v3, vm0, $0xb8;
	[tilespmem:$0x19000] =	vst v63  }
0x130: {  	s22 =	simm.s32 $0x17800  }
0x131: {  	[tilespmem:s22], [sflag:$0x3] =	stream.indirect_vreg.gather [hbm4b:s5+s3], $0x80, v3, vm0, $0xb8;
	[tilespmem:$0x19000] =	vst v63  }
0x132: {  	s10 =	simm.s32 $0x18000  }
0x133: {  	[tilespmem:s10], [sflag:$0x3] =	stream.indirect_vreg.gather [hbm4b:s6+s3], $0x80, v3, vm0, $0xb8;
	[tilespmem:$0x19000] =	vst v63  }
0x134: {  	s16 =	simm.s32 $0x18800  }
0x135: {  	[tilespmem:s16], [sflag:$0x3] =	stream.indirect_vreg.gather [hbm4b:s7+s3], $0x80, v3, vm0, $0xb8;
	[tilespmem:$0x19000] =	vst v63  }
0x136: {  	_ =	swait.ge [sflag:s12], $0x8000  }
0x137: {  	s16 =	rddreg [dreg:$0x4]  }
0x138: {  	[sflag:s12] =	ssyncset.done $0x0;
	s16 =	sadd.s32 s29, s16  }
0x139: {  	s22 =	simm.s32 $0x1000;
	[sflag:s12] =	ssyncadd.s32 $0xFFFF8000;
	s30 =	sadd.s32 $0x3000, s16  }
0x13a: {  	[hbm4b:s30+s3] =	stream.linear.scatter [tilespmem:s22], [sflag:$0x4], $0x8000, $0x38;
	[tilespmem:$0x19000] =	vst v63  }
0x13b: {  	_ =	swait.ge [sflag:s25], $0x8000  }
0x13c: {  	[sflag:s25] =	ssyncset.done $0x0  }
0x13d: {  	[sflag:s25] =	ssyncadd.s32 $0xFFFF8000  }
0x13e: {  	v3 =	vld [tilespmem:s14+$0xFFFFFF70];
	_ =	sdelay $0x4  }
0x13f: {  	v60 =	vshll.u32 v3, $0x3  }
0x140: {  	v3 =	vand.u32 $0x7, v3;
	v4 =	vand.u32 $0xFFFFFFC0, v60  }
0x141: {  	v3 =	vor.u32 v3, v4  }
0x142: {  	v4 =	vperm.xlane v3, v0;
	_ =	sdelay $0x1  }
0x143: {  	v4 =	vadd.s32 v1, v4;
	_ =	sdelay $0x4  }
0x144: {  	[tilespmem:s22], [sflag:$0x1] =	stream.indirect_vreg.gather [hbm4b:s2+s3], $0x80, v4, vm0, $0xb8;
	[tilespmem:$0x19000] =	vst v63  }
0x145: {  	v3 =	vperm.xlane v3, v2  }
0x146: {  	[tilespmem:s17], [sflag:$0x1] =	stream.indirect_vreg.gather [hbm4b:s5+s3], $0x80, v4, vm0, $0xb8;
	[tilespmem:$0x19000] =	vst v63  }
0x147: {  	v3 =	vadd.s32 v1, v3  }
0x148: {  	[tilespmem:s31], [sflag:$0x1] =	stream.indirect_vreg.gather [hbm4b:s6+s3], $0x80, v4, vm0, $0xb8;
	[tilespmem:$0x19000] =	vst v63  }
0x149: {  	_ = 	snop  }
0x14a: {  	[tilespmem:s18], [sflag:$0x1] =	stream.indirect_vreg.gather [hbm4b:s7+s3], $0x80, v4, vm0, $0xb8;
	[tilespmem:$0x19000] =	vst v63  }
0x14b: {  	s19 =	simm.s32 $0x3000  }
0x14c: {  	[tilespmem:s19], [sflag:$0x1] =	stream.indirect_vreg.gather [hbm4b:s2+s3], $0x80, v3, vm0, $0xb8;
	[tilespmem:$0x19000] =	vst v63  }
0x14d: {  	_ = 	snop  }
0x14e: {  	[tilespmem:s1], [sflag:$0x1] =	stream.indirect_vreg.gather [hbm4b:s5+s3], $0x80, v3, vm0, $0xb8;
	[tilespmem:$0x19000] =	vst v63  }
0x14f: {  	_ = 	snop  }
0x150: {  	[tilespmem:s20], [sflag:$0x1] =	stream.indirect_vreg.gather [hbm4b:s6+s3], $0x80, v3, vm0, $0xb8;
	[tilespmem:$0x19000] =	vst v63  }
0x151: {  	_ = 	snop  }
0x152: {  	[tilespmem:s4], [sflag:$0x1] =	stream.indirect_vreg.gather [hbm4b:s7+s3], $0x80, v3, vm0, $0xb8;
	[tilespmem:$0x19000] =	vst v63  }
0x153: {  	v3 =	vld [tilespmem:s14+$0xFFFFFF80];
	_ =	sdelay $0x4  }
0x154: {  	v61 =	vshll.u32 v3, $0x3  }
0x155: {  	v3 =	vand.u32 $0x7, v3;
	v4 =	vand.u32 $0xFFFFFFC0, v61  }
0x156: {  	v3 =	vor.u32 v3, v4  }
0x157: {  	v4 =	vperm.xlane v3, v0;
	_ =	sdelay $0x1  }
0x158: {  	v4 =	vadd.s32 v1, v4;
	_ =	sdelay $0x4  }
0x159: {  	[tilespmem:s21], [sflag:$0x1] =	stream.indirect_vreg.gather [hbm4b:s2+s3], $0x80, v4, vm0, $0xb8;
	[tilespmem:$0x19000] =	vst v63  }
0x15a: {  	v3 =	vperm.xlane v3, v2  }
0x15b: {  	[tilespmem:s9], [sflag:$0x1] =	stream.indirect_vreg.gather [hbm4b:s5+s3], $0x80, v4, vm0, $0xb8;
	[tilespmem:$0x19000] =	vst v63  }
0x15c: {  	s22 =	simm.s32 $0x6000;
	v3 =	vadd.s32 v1, v3  }
0x15d: {  	[tilespmem:s22], [sflag:$0x1] =	stream.indirect_vreg.gather [hbm4b:s6+s3], $0x80, v4, vm0, $0xb8;
	[tilespmem:$0x19000] =	vst v63  }
0x15e: {  	_ = 	snop  }
0x15f: {  	[tilespmem:s23], [sflag:$0x1] =	stream.indirect_vreg.gather [hbm4b:s7+s3], $0x80, v4, vm0, $0xb8;
	[tilespmem:$0x19000] =	vst v63  }
0x160: {  	s19 =	simm.s32 $0x7000  }
0x161: {  	[tilespmem:s19], [sflag:$0x1] =	stream.indirect_vreg.gather [hbm4b:s2+s3], $0x80, v3, vm0, $0xb8;
	[tilespmem:$0x19000] =	vst v63  }
0x162: {  	_ = 	snop  }
0x163: {  	[tilespmem:s24], [sflag:$0x1] =	stream.indirect_vreg.gather [hbm4b:s5+s3], $0x80, v3, vm0, $0xb8;
	[tilespmem:$0x19000] =	vst v63  }
0x164: {  	s22 =	simm.s32 $0x8000  }
0x165: {  	[tilespmem:s22], [sflag:$0x1] =	stream.indirect_vreg.gather [hbm4b:s6+s3], $0x80, v3, vm0, $0xb8;
	[tilespmem:$0x19000] =	vst v63  }
0x166: {  	_ = 	snop  }
0x167: {  	[tilespmem:s11], [sflag:$0x1] =	stream.indirect_vreg.gather [hbm4b:s7+s3], $0x80, v3, vm0, $0xb8;
	[tilespmem:$0x19000] =	vst v63  }
0x168: {  	_ =	swait.ge [sflag:s13], $0x8000  }
0x169: {  	[sflag:s13] =	ssyncset.done $0x0  }
0x16a: {  	s30 =	sadd.s32 $0x4000, s16;
	s19 =	simm.s32 $0x9000;
	[sflag:s13] =	ssyncadd.s32 $0xFFFF8000  }
0x16b: {  	[hbm4b:s30+s3] =	stream.linear.scatter [tilespmem:s19], [sflag:$0x5], $0x8000, $0x38;
	[tilespmem:$0x19000] =	vst v63  }
0x16c: {  	_ =	swait.ge [sflag:s26], $0x8000  }
0x16d: {  	[sflag:s26] =	ssyncset.done $0x0  }
0x16e: {  	[sflag:s26] =	ssyncadd.s32 $0xFFFF8000  }
0x16f: {  	v3 =	vld [tilespmem:s14+$0xFFFFFFF0];
	_ =	sdelay $0x4  }
0x170: {  	v62 =	vshll.u32 v3, $0x3  }
0x171: {  	v3 =	vand.u32 $0x7, v3;
	v4 =	vand.u32 $0xFFFFFFC0, v62  }
0x172: {  	v3 =	vor.u32 v3, v4  }
0x173: {  	v4 =	vperm.xlane v3, v0;
	_ =	sdelay $0x1  }
0x174: {  	v4 =	vadd.s32 v1, v4;
	_ =	sdelay $0x4  }
0x175: {  	[tilespmem:s19], [sflag:$0x2] =	stream.indirect_vreg.gather [hbm4b:s2+s3], $0x80, v4, vm0, $0xb8;
	[tilespmem:$0x19000] =	vst v63  }
0x176: {  	s30 =	simm.s32 $0x9800;
	v3 =	vperm.xlane v3, v2  }
0x177: {  	[tilespmem:s30], [sflag:$0x2] =	stream.indirect_vreg.gather [hbm4b:s5+s3], $0x80, v4, vm0, $0xb8;
	[tilespmem:$0x19000] =	vst v63  }
0x178: {  	v3 =	vadd.s32 v1, v3  }
0x179: {  	[tilespmem:s15], [sflag:$0x2] =	stream.indirect_vreg.gather [hbm4b:s6+s3], $0x80, v4, vm0, $0xb8;
	[tilespmem:$0x19000] =	vst v63  }
0x17a: {  	s19 =	simm.s32 $0xA800  }
0x17b: {  	[tilespmem:s19], [sflag:$0x2] =	stream.indirect_vreg.gather [hbm4b:s7+s3], $0x80, v4, vm0, $0xb8;
	[tilespmem:$0x19000] =	vst v63  }
0x17c: {  	s19 =	simm.s32 $0xB000  }
0x17d: {  	[tilespmem:s19], [sflag:$0x2] =	stream.indirect_vreg.gather [hbm4b:s2+s3], $0x80, v3, vm0, $0xb8;
	[tilespmem:$0x19000] =	vst v63  }
0x17e: {  	s19 =	simm.s32 $0xB800  }
0x17f: {  	[tilespmem:s19], [sflag:$0x2] =	stream.indirect_vreg.gather [hbm4b:s5+s3], $0x80, v3, vm0, $0xb8;
	[tilespmem:$0x19000] =	vst v63  }
0x180: {  	s19 =	simm.s32 $0xC000  }
0x181: {  	[tilespmem:s19], [sflag:$0x2] =	stream.indirect_vreg.gather [hbm4b:s6+s3], $0x80, v3, vm0, $0xb8;
	[tilespmem:$0x19000] =	vst v63  }
0x182: {  	s19 =	simm.s32 $0xC800  }
0x183: {  	[tilespmem:s19], [sflag:$0x2] =	stream.indirect_vreg.gather [hbm4b:s7+s3], $0x80, v3, vm0, $0xb8;
	[tilespmem:$0x19000] =	vst v63  }
0x184: {  	v3 =	vld [tilespmem:s14+$0x0];
	_ =	sdelay $0x4  }
0x185: {  	v63 =	vshll.u32 v3, $0x3  }
0x186: {  	v3 =	vand.u32 $0x7, v3;
	v4 =	vand.u32 $0xFFFFFFC0, v63  }
0x187: {  	v3 =	vor.u32 v3, v4  }
0x188: {  	v4 =	vperm.xlane v3, v0;
	_ =	sdelay $0x1  }
0x189: {  	v4 =	vadd.s32 v1, v4;
	_ =	sdelay $0x3  }
0x18a: {  	s19 =	simm.s32 $0xD000  }
0x18b: {  	[tilespmem:s19], [sflag:$0x2] =	stream.indirect_vreg.gather [hbm4b:s2+s3], $0x80, v4, vm0, $0xb8;
	[tilespmem:$0x19000] =	vst v63  }
0x18c: {  	v3 =	vperm.xlane v3, v2;
	s19 =	simm.s32 $0xD800  }
0x18d: {  	[tilespmem:s19], [sflag:$0x2] =	stream.indirect_vreg.gather [hbm4b:s5+s3], $0x80, v4, vm0, $0xb8;
	[tilespmem:$0x19000] =	vst v63  }
0x18e: {  	v3 =	vadd.s32 v1, v3;
	s19 =	simm.s32 $0xE000  }
0x18f: {  	[tilespmem:s19], [sflag:$0x2] =	stream.indirect_vreg.gather [hbm4b:s6+s3], $0x80, v4, vm0, $0xb8;
	[tilespmem:$0x19000] =	vst v63  }
0x190: {  	s19 =	simm.s32 $0xE800  }
0x191: {  	[tilespmem:s19], [sflag:$0x2] =	stream.indirect_vreg.gather [hbm4b:s7+s3], $0x80, v4, vm0, $0xb8;
	[tilespmem:$0x19000] =	vst v63  }
0x192: {  	s19 =	simm.s32 $0xF000  }
0x193: {  	[tilespmem:s19], [sflag:$0x2] =	stream.indirect_vreg.gather [hbm4b:s2+s3], $0x80, v3, vm0, $0xb8;
	[tilespmem:$0x19000] =	vst v63  }
0x194: {  	s19 =	simm.s32 $0xF800  }
0x195: {  	[tilespmem:s19], [sflag:$0x2] =	stream.indirect_vreg.gather [hbm4b:s5+s3], $0x80, v3, vm0, $0xb8;
	[tilespmem:$0x19000] =	vst v63  }
0x196: {  	s19 =	simm.s32 $0x10000  }
0x197: {  	[tilespmem:s19], [sflag:$0x2] =	stream.indirect_vreg.gather [hbm4b:s6+s3], $0x80, v3, vm0, $0xb8;
	[tilespmem:$0x19000] =	vst v63  }
0x198: {  	p0 =	sne.s32 s29, $0x18000;
	s19 =	simm.s32 $0x10800  }
0x199: {  	[tilespmem:s19], [sflag:$0x2] =	stream.indirect_vreg.gather [hbm4b:s7+s3], $0x80, v3, vm0, $0xb8;
	[tilespmem:$0x19000] =	vst v63  }
.Ltmp0:
0x19a: {  	_ = 	snop;
	(pc) =	sbr.rel @p0 .LBB2_2-.Ltmp0, $4  }
0x19b: {  	s0 =	simm.s32 $0x1000;
	s10 =	simm.s32 $0x11000;
	_ =	swait.ge [sflag:s8], $0x8000  }
0x19c: {  	s29 =	sadd.s32 $0x3000, s29;
	s16 =	sadd.s32 $0x5000, s16;
	[sflag:s8] =	ssyncset.done $0x0  }
0x19d: {  	s22 =	simm.s32 $0x9000;
	s14 =	sadd.s32 $0x180, s14;
	[sflag:s8] =	ssyncadd.s32 $0xFFFF8000  }
0x19e: {  	[hbm4b:s16+s3] =	stream.linear.scatter [tilespmem:s10], [sflag:$0x6], $0x8000, $0x38;
	[tilespmem:$0x19000] =	vst v63  }
0x19f: {  	_ =	swait.ge [sflag:s12], $0x8000  }
0x1a0: {  	[sflag:s12] =	ssyncset.done $0x0  }
0x1a1: {  	s14 =	rddreg [dreg:$0x9];
	[sflag:s12] =	ssyncadd.s32 $0xFFFF8000  }
0x1a2: {  	[hbm4b:s14+s3] =	stream.linear.scatter [tilespmem:s0], [sflag:$0x4], $0x8000, $0x38;
	[tilespmem:$0x19000] =	vst v63  }
0x1a3: {  	_ =	swait.ge [sflag:s13], $0x8000  }
0x1a4: {  	[sflag:s13] =	ssyncset.done $0x0  }
0x1a5: {  	s21 =	rddreg [dreg:$0xa];
	[sflag:s13] =	ssyncadd.s32 $0xFFFF8000  }
0x1a6: {  	[hbm4b:s21+s3] =	stream.linear.scatter [tilespmem:s22], [sflag:$0x5], $0x8000, $0x38;
	[tilespmem:$0x19000] =	vst v63  }
0x1a7: {  	_ =	swait.ge [sflag:s28], $0x8000  }
0x1a8: {  	[sflag:s28] =	ssyncset.done $0x0  }
0x1a9: {  	[sflag:s28] =	ssyncadd.s32 $0xFFFF8000  }
0x1aa: {  	_ =	swait.ge [sflag:s25], $0x8000  }
0x1ab: {  	[sflag:s25] =	ssyncset.done $0x0  }
0x1ac: {  	[sflag:s25] =	ssyncadd.s32 $0xFFFF8000  }
0x1ad: {  	_ =	swait.ge [sflag:s26], $0x8000  }
0x1ae: {  	s16 =	simm.s32 $0x1800;
	s23 =	rddreg [dreg:$0xc]  }
0x1af: {  	s17 =	simm.s32 $0x2000;
	s24 =	rddreg [dreg:$0xb];
	s0 =	sadd.s32 $0x1, s23  }
0x1b0: {  	s29 =	simm.s32 $0x2800;
	s18 =	simm.s32 $0x3000;
	p0 =	sne.s32 s0, s24  }
.Ltmp1:
0x1b1: {  	s19 =	simm.s32 $0x3800;
	s1 =	simm.s32 $0x4000;
	(pc) =	sbr.rel @p0 .LBB2_1-.Ltmp1, $4  }
0x1b2: {  	s20 =	simm.s32 $0x4800;
	s4 =	simm.s32 $0x5000;
	s9 =	simm.s32 $0x6000  }
0x1b3: {  	s10 =	simm.s32 $0x6800;
	s11 =	simm.s32 $0x7800;
	s31 =	simm.s32 $0xA000  }
0x1b4: {  	s21 =	simm.s32 $0x5800;
	s22 =	simm.s32 $0x8800;
	[sflag:s26] =	ssyncset.done $0x0  }
0x1b5: {  	[sflag:s26] =	ssyncadd.s32 $0xFFFF8000;
	s23 =	simm.s32 $0x7000;
	s24 =	simm.s32 $0x8000  }
0x1b6: {  	_ =	sfence.sel $0x180000  }
0x1b7: {  	[bflag:$0x0] =	sbarrier.arrive $0xFFFF  }
0x1b8: {  	_ =	strace $0x90000047  }
0x1b9: {  	s0 =	stileid.u32;
	[bflag:$0x2] =	sbarrier.arrive $0xFFFF  }
0x1ba: {  	p0 =	sne.s32 s0, $0x0;
	s0 =	rddreg [dreg:$0x3]  }
0x1bb: {  	s0 =	sadd.s32 @!p0 $0x100000, s0  }
0x1bc: {  	[sflag:s0] =	ssyncadd.tile.s32 @!p0 $0x1;
	_ =	shalt  }
.Lfunc_end2:
_tile_overlayer_lowered:
.L_overlay_start_2:
0x1bd: {  	(tag) =	ssettag $0x2  }
0x1be: {  	s0 =	rddreg [dreg:$0x0];
	s2 =	stileid.u32  }
0x1bf: {  	s1 =	rddreg [dreg:$0x1];
	p0 =	sne.s32 s2, $0x0  }
0x1c0: {  	s3 =	rddreg [dreg:$0x2];
	[bflag:$0x3] =	sbarrier.arrive $0xFFFF;
	s2 =	simm.s32 @!p0 $0x1C07  }
0x1c1: {  	[timem:s3], [sflag:s2] =	dma.local @!p0 [hbm:s0], s1  }
0x1c2: {  	s0 =	simm.s32 @!p0 $0x7  }
0x1c3: {  	_ =	swait.ge @!p0 [sflag:s0], s1  }
0x1c4: {  	s1 =	ssub.s32 @!p0 $0x0, s1;
	[sflag:s0] =	ssyncset.done @!p0 $0x0  }
0x1c5: {  	[sflag:s0] =	ssyncadd.s32 @!p0 s1  }
0x1c6: {  	[bflag:$0x3] =	sbarrier.arrive $0xFFFF  }
0x1c7: {  	_ =	shalt  }

</sc_bundles>
